<compile_context>
chip_gen: v7x
topology: tpu7x:2x2x1
jax: 0.10.2.dev20260603
libtpu: 0.0.44.dev20260713+nightly
codegen_flags: <defaults>
</compile_context>

<pallas_src>
import functools

import jax
import jax.numpy as jnp
from jax import lax
from jax.experimental import pallas as pl
from jax.experimental.pallas import tpu as pltpu
from jax.experimental.pallas import tpu_sc as plsc

_NW = 32
_CHUNK = 32
_NBUF = 3


def _body(emb_ref, anchor_ref, out_ref, buf, in_sem, out_sem):
    R, D = out_ref.shape
    S = 4096
    per_w = R // _NW
    nchunks = per_w // _CHUNK
    wid = lax.axis_index("s") * 2 + lax.axis_index("c")
    base = wid * per_w
    owns_row0 = (base % S) == 0

    def in_cp(i, s):
        return pltpu.make_async_copy(
            emb_ref.at[pl.ds(base + i * _CHUNK, _CHUNK), :],
            buf.at[s],
            in_sem.at[s],
        )

    def out_cp(i, s):
        return pltpu.make_async_copy(
            buf.at[s],
            out_ref.at[pl.ds(base + i * _CHUNK, _CHUNK), :],
            out_sem.at[s],
        )

    def emit(i):
        s = i % _NBUF
        if i >= _NBUF:
            out_cp(i - _NBUF, s).wait()
        in_cp(i, s).start()
        if i >= 1:
            sp = (i - 1) % _NBUF
            in_cp(i - 1, sp).wait()
            if i - 1 == 0:
                @pl.when(owns_row0)
                def _():
                    pltpu.sync_copy(anchor_ref.at[0, :], buf.at[sp, 0, :])
            out_cp(i - 1, sp).start()

    for i in range(nchunks):
        emit(i)
    last = nchunks - 1
    s = last % _NBUF
    in_cp(last, s).wait()
    out_cp(last, s).start()
    for i in range(max(0, nchunks - _NBUF), nchunks):
        out_cp(i, i % _NBUF).wait()


@jax.jit
def _run(token_embeddings, style_anchor):
    B, S, D = token_embeddings.shape
    flat = token_embeddings.reshape(B * S, D)
    k = pl.kernel(
        _body,
        out_type=jax.ShapeDtypeStruct((B * S, D), token_embeddings.dtype),
        mesh=plsc.VectorSubcoreMesh(core_axis_name="c", subcore_axis_name="s"),
        scratch_types=[
            pltpu.VMEM((_NBUF, _CHUNK, D), jnp.float32),
            pltpu.SemaphoreType.DMA((_NBUF,)),
            pltpu.SemaphoreType.DMA((_NBUF,)),
        ],
    )
    out = k(flat, style_anchor)
    return out.reshape(B, S, D)


def kernel(token_embeddings, style_anchor):
    return _run(token_embeddings, style_anchor)

# --- scband reference (transcript-rebuilt; emitter-appended) ---
"""Pipeline reference for scband-direct-style-anchor-31791347925493 (READ-ONLY COPY).

The authoritative reference and input builder live on the scoring server;
editing this copy changes nothing except your own understanding.
"""

import jax, jax.numpy as jnp
import numpy as np


def setup_inputs(seed: int = 0) -> dict:
    key = jax.random.key(seed)
    k1, k2 = jax.random.split(key)
    token_embeddings = jax.random.normal(k1, (4, 4096, 1024), dtype=jnp.float32)
    # learned parameter: style anchor, init as randn * 0.02 like the torch module
    style_anchor = jax.random.normal(k2, (1, 1024), dtype=jnp.float32) * 0.02
    return {"token_embeddings": token_embeddings, "style_anchor": style_anchor}


def reference(token_embeddings, style_anchor):
    # torch: token_embeddings[:, 0] = self.style_anchor  (in-place scatter-overwrite)
    # jax functional equivalent: .at[:, 0, :].set with broadcasting [1, D] -> [B, D]
    out = token_embeddings.at[:, 0, :].set(style_anchor)
    return out

if __name__ == "__main__":
    import jax
    _d = setup_inputs()
    print(jax.jit(kernel)(*tuple(_d.values())))

</pallas_src>

<mosaic_0001>
#map = affine_map<(d0, d1) -> (0, 0)>
module attributes {stable_mosaic.version = 14 : i64} {
  func.func @_body(%arg0: i32, %arg1: i32, %arg2: memref<16384x1024xf32, #tpu.memory_space<hbm>>, %arg3: memref<1x1024xf32, #tpu.memory_space<hbm>>, %arg4: memref<16384x1024xf32, #tpu.memory_space<hbm>>, %arg5: memref<3x32x1024xf32, #tpu.memory_space<vmem>>, %arg6: memref<3x!tpu.dma_semaphore, #tpu.memory_space<semaphore_mem>>, %arg7: memref<3x!tpu.dma_semaphore, #tpu.memory_space<semaphore_mem>>) attributes {dimension_semantics = [#tpu.dimension_semantics<core_parallel>, #tpu.dimension_semantics<subcore_parallel>], iteration_bounds = array<i64: 2, 16>, scalar_prefetch = 0 : i64, scratch_operands = 3 : i64, tpu.core_type = #tpu.core_type<sc_vector_subcore>, window_params = [{transform_indices = #map}, {transform_indices = #map}, {transform_indices = #map}]} {
    %mul3A = arith.constant 2 : i32
    %mul3A_0 = arith.muli %arg1, %mul3A : i32
    %add3A = arith.addi %mul3A_0, %arg0 : i32
    %mul3A_1 = arith.constant 512 : i32
    %mul3A_2 = arith.muli %add3A, %mul3A_1 : i32
    %jit3A = arith.constant 4096 : i32
    %eq3A = arith.constant 0 : i32
    %eq3A_3 = arith.cmpi eq, %jit3A, %eq3A : i32
    %jit3A_4 = arith.constant 1 : i32
    %select_n3A = arith.select %eq3A_3, %jit3A_4, %jit3A : i32
    %rem3A = arith.remsi %mul3A_2, %select_n3A : i32
    %ne3A = arith.constant 0 : i32
    %ne3A_5 = arith.cmpi ne, %rem3A, %ne3A : i32
    %lt3A = arith.constant 0 : i32
    %lt3A_6 = arith.cmpi slt, %rem3A, %lt3A : i32
    %lt3A_7 = arith.constant 0 : i32
    %lt3A_8 = arith.cmpi slt, %select_n3A, %lt3A_7 : i32
    %ne3A_9 = arith.xori %lt3A_6, %lt3A_8 : i1
    %and3A = arith.andi %ne3A_9, %ne3A_5 : i1
    %add3A_10 = arith.addi %rem3A, %select_n3A : i32
    %select_n3A_11 = arith.select %and3A, %add3A_10, %rem3A : i32
    %eq3A_12 = arith.constant 0 : i32
    %eq3A_13 = arith.cmpi eq, %select_n3A_11, %eq3A_12 : i32
    %add3A_14 = arith.constant 0 : i32
    %add3A_15 = arith.addi %mul3A_2, %add3A_14 : i32
    %dma_start3A = arith.constant 0 : i32
    %dma_start3A_16 = arith.constant 0 : i32
    %dma_start3A_17 = arith.constant 0 : i32
    %dma_start3A_18 = arith.constant 0 : i32
    %dma_start3A_19 = tpu.memref_slice %arg5[%dma_start3A, %dma_start3A_17, %dma_start3A_18] : memref<3x32x1024xf32, #tpu.memory_space<vmem>> -> memref<1x32x1024xf32, #tpu.memory_space<vmem>>
    %dma_start3A_20 = tpu.memref_squeeze %dma_start3A_19 : memref<1x32x1024xf32, #tpu.memory_space<vmem>> -> memref<32x1024xf32, #tpu.memory_space<vmem>>
    %dma_start3A_21 = arith.constant 0 : i32
    %dma_start3A_22 = tpu.memref_slice %arg2[%add3A_15, %dma_start3A_21] : memref<16384x1024xf32, #tpu.memory_space<hbm>> -> memref<32x1024xf32, #tpu.memory_space<hbm>>
    %dma_start3A_23 = tpu.memref_slice %arg6[%dma_start3A_16] : memref<3x!tpu.dma_semaphore, #tpu.memory_space<semaphore_mem>> -> memref<1x!tpu.dma_semaphore, #tpu.memory_space<semaphore_mem>>
    %dma_start3A_24 = tpu.memref_squeeze %dma_start3A_23 : memref<1x!tpu.dma_semaphore, #tpu.memory_space<semaphore_mem>> -> memref<!tpu.dma_semaphore, #tpu.memory_space<semaphore_mem>>
    %dma_start3A_25 = arith.constant 0 : i32
    %dma_start3A_26 = arith.constant 0 : i32
    %dma_start3A_27 = tpu.memref_slice %arg5[%dma_start3A, %dma_start3A_25, %dma_start3A_26] : memref<3x32x1024xf32, #tpu.memory_space<vmem>> -> memref<1x32x1024xf32, #tpu.memory_space<vmem>>
    %dma_start3A_28 = tpu.memref_squeeze %dma_start3A_27 : memref<1x32x1024xf32, #tpu.memory_space<vmem>> -> memref<32x1024xf32, #tpu.memory_space<vmem>>
    %dma_start3A_29 = arith.constant 0 : i32
    %dma_start3A_30 = tpu.memref_slice %arg2[%add3A_15, %dma_start3A_29] : memref<16384x1024xf32, #tpu.memory_space<hbm>> -> memref<32x1024xf32, #tpu.memory_space<hbm>>
    tpu.enqueue_dma source(%dma_start3A_30 : memref<32x1024xf32, #tpu.memory_space<hbm>>) target(%dma_start3A_28 : memref<32x1024xf32, #tpu.memory_space<vmem>>) target_semaphore(%dma_start3A_24 : memref<!tpu.dma_semaphore, #tpu.memory_space<semaphore_mem>>)
    %add3A_31 = arith.constant 32 : i32
    %add3A_32 = arith.addi %mul3A_2, %add3A_31 : i32
    %dma_start3A_33 = arith.constant 1 : i32
    %dma_start3A_34 = arith.constant 1 : i32
    %dma_start3A_35 = arith.constant 0 : i32
    %dma_start3A_36 = arith.constant 0 : i32
    %dma_start3A_37 = tpu.memref_slice %arg5[%dma_start3A_33, %dma_start3A_35, %dma_start3A_36] : memref<3x32x1024xf32, #tpu.memory_space<vmem>> -> memref<1x32x1024xf32, #tpu.memory_space<vmem>>
    %dma_start3A_38 = tpu.memref_squeeze %dma_start3A_37 : memref<1x32x1024xf32, #tpu.memory_space<vmem>> -> memref<32x1024xf32, #tpu.memory_space<vmem>>
    %dma_start3A_39 = arith.constant 0 : i32
    %dma_start3A_40 = tpu.memref_slice %arg2[%add3A_32, %dma_start3A_39] : memref<16384x1024xf32, #tpu.memory_space<hbm>> -> memref<32x1024xf32, #tpu.memory_space<hbm>>
    %dma_start3A_41 = tpu.memref_slice %arg6[%dma_start3A_34] : memref<3x!tpu.dma_semaphore, #tpu.memory_space<semaphore_mem>> -> memref<1x!tpu.dma_semaphore, #tpu.memory_space<semaphore_mem>>
    %dma_start3A_42 = tpu.memref_squeeze %dma_start3A_41 : memref<1x!tpu.dma_semaphore, #tpu.memory_space<semaphore_mem>> -> memref<!tpu.dma_semaphore, #tpu.memory_space<semaphore_mem>>
    %dma_start3A_43 = arith.constant 0 : i32
    %dma_start3A_44 = arith.constant 0 : i32
    %dma_start3A_45 = tpu.memref_slice %arg5[%dma_start3A_33, %dma_start3A_43, %dma_start3A_44] : memref<3x32x1024xf32, #tpu.memory_space<vmem>> -> memref<1x32x1024xf32, #tpu.memory_space<vmem>>
    %dma_start3A_46 = tpu.memref_squeeze %dma_start3A_45 : memref<1x32x1024xf32, #tpu.memory_space<vmem>> -> memref<32x1024xf32, #tpu.memory_space<vmem>>
    %dma_start3A_47 = arith.constant 0 : i32
    %dma_start3A_48 = tpu.memref_slice %arg2[%add3A_32, %dma_start3A_47] : memref<16384x1024xf32, #tpu.memory_space<hbm>> -> memref<32x1024xf32, #tpu.memory_space<hbm>>
    tpu.enqueue_dma source(%dma_start3A_48 : memref<32x1024xf32, #tpu.memory_space<hbm>>) target(%dma_start3A_46 : memref<32x1024xf32, #tpu.memory_space<vmem>>) target_semaphore(%dma_start3A_42 : memref<!tpu.dma_semaphore, #tpu.memory_space<semaphore_mem>>)
    %add3A_49 = arith.constant 0 : i32
    %add3A_50 = arith.addi %mul3A_2, %add3A_49 : i32
    %dma_wait3A = arith.constant 0 : i32
    %dma_wait3A_51 = arith.constant 0 : i32
    %dma_wait3A_52 = arith.constant 0 : i32
    %dma_wait3A_53 = arith.constant 0 : i32
    %dma_wait3A_54 = tpu.memref_slice %arg5[%dma_wait3A, %dma_wait3A_52, %dma_wait3A_53] : memref<3x32x1024xf32, #tpu.memory_space<vmem>> -> memref<1x32x1024xf32, #tpu.memory_space<vmem>>
    %dma_wait3A_55 = tpu.memref_squeeze %dma_wait3A_54 : memref<1x32x1024xf32, #tpu.memory_space<vmem>> -> memref<32x1024xf32, #tpu.memory_space<vmem>>
    %dma_wait3A_56 = arith.constant 0 : i32
    %dma_wait3A_57 = tpu.memref_slice %arg2[%add3A_50, %dma_wait3A_56] : memref<16384x1024xf32, #tpu.memory_space<hbm>> -> memref<32x1024xf32, #tpu.memory_space<hbm>>
    %dma_wait3A_58 = tpu.memref_slice %arg6[%dma_wait3A_51] : memref<3x!tpu.dma_semaphore, #tpu.memory_space<semaphore_mem>> -> memref<1x!tpu.dma_semaphore, #tpu.memory_space<semaphore_mem>>
    %dma_wait3A_59 = tpu.memref_squeeze %dma_wait3A_58 : memref<1x!tpu.dma_semaphore, #tpu.memory_space<semaphore_mem>> -> memref<!tpu.dma_semaphore, #tpu.memory_space<semaphore_mem>>
    %dma_wait3A_60 = arith.constant 0 : i32
    %dma_wait3A_61 = arith.constant 0 : i32
    %dma_wait3A_62 = tpu.memref_slice %arg5[%dma_wait3A, %dma_wait3A_60, %dma_wait3A_61] : memref<3x32x1024xf32, #tpu.memory_space<vmem>> -> memref<1x32x1024xf32, #tpu.memory_space<vmem>>
    %dma_wait3A_63 = tpu.memref_squeeze %dma_wait3A_62 : memref<1x32x1024xf32, #tpu.memory_space<vmem>> -> memref<32x1024xf32, #tpu.memory_space<vmem>>
    %dma_wait3A_64 = arith.constant 0 : i32
    %dma_wait3A_65 = tpu.memref_slice %arg2[%add3A_50, %dma_wait3A_64] : memref<16384x1024xf32, #tpu.memory_space<hbm>> -> memref<32x1024xf32, #tpu.memory_space<hbm>>
    tpu.wait_dma2 semaphore(%dma_wait3A_59 : memref<!tpu.dma_semaphore, #tpu.memory_space<semaphore_mem>>) src(%dma_wait3A_65 : memref<32x1024xf32, #tpu.memory_space<hbm>>) dst(%dma_wait3A_63 : memref<32x1024xf32, #tpu.memory_space<vmem>>)
    %convert_element_type3A = arith.extui %eq3A_13 : i1 to i32
    %cond3A = arith.constant 0 : i32
    %cond3A_66 = arith.cmpi ne, %convert_element_type3A, %cond3A : i32
    scf.if %cond3A_66 {
      %run_scoped3A = arith.constant 0 : i32
      %run_scoped3A_1165 = arith.constant 0 : i32
      %run_scoped3A_1166 = arith.constant 0 : i32
      "tpu.region"() ({
        %run_scoped3A_1167 = tpu.sem_alloc : memref<!tpu.dma_semaphore, #tpu.memory_space<semaphore_mem>>
        %dma_start3A_1168 = arith.constant 0 : i32
        %dma_start3A_1169 = tpu.memref_slice %arg5[%run_scoped3A_1165, %run_scoped3A_1166, %dma_start3A_1168] : memref<3x32x1024xf32, #tpu.memory_space<vmem>> -> memref<1x1x1024xf32, #tpu.memory_space<vmem>>
        %dma_start3A_1170 = tpu.memref_squeeze %dma_start3A_1169 : memref<1x1x1024xf32, #tpu.memory_space<vmem>> -> memref<1024xf32, #tpu.memory_space<vmem>>
        %dma_start3A_1171 = arith.constant 0 : i32
        %dma_start3A_1172 = tpu.memref_slice %arg3[%run_scoped3A, %dma_start3A_1171] : memref<1x1024xf32, #tpu.memory_space<hbm>> -> memref<1x1024xf32, #tpu.memory_space<hbm>>
        %dma_start3A_1173 = tpu.memref_squeeze %dma_start3A_1172 : memref<1x1024xf32, #tpu.memory_space<hbm>> -> memref<1024xf32, #tpu.memory_space<hbm>>
        %dma_start3A_1174 = arith.constant 0 : i32
        %dma_start3A_1175 = tpu.memref_slice %arg5[%run_scoped3A_1165, %run_scoped3A_1166, %dma_start3A_1174] : memref<3x32x1024xf32, #tpu.memory_space<vmem>> -> memref<1x1x1024xf32, #tpu.memory_space<vmem>>
        %dma_start3A_1176 = tpu.memref_squeeze %dma_start3A_1175 : memref<1x1x1024xf32, #tpu.memory_space<vmem>> -> memref<1024xf32, #tpu.memory_space<vmem>>
        %dma_start3A_1177 = arith.constant 0 : i32
        %dma_start3A_1178 = tpu.memref_slice %arg3[%run_scoped3A, %dma_start3A_1177] : memref<1x1024xf32, #tpu.memory_space<hbm>> -> memref<1x1024xf32, #tpu.memory_space<hbm>>
        %dma_start3A_1179 = tpu.memref_squeeze %dma_start3A_1178 : memref<1x1024xf32, #tpu.memory_space<hbm>> -> memref<1024xf32, #tpu.memory_space<hbm>>
        tpu.enqueue_dma source(%dma_start3A_1179 : memref<1024xf32, #tpu.memory_space<hbm>>) target(%dma_start3A_1176 : memref<1024xf32, #tpu.memory_space<vmem>>) target_semaphore(%run_scoped3A_1167 : memref<!tpu.dma_semaphore, #tpu.memory_space<semaphore_mem>>)
        %dma_wait3A_1180 = arith.constant 0 : i32
        %dma_wait3A_1181 = tpu.memref_slice %arg5[%run_scoped3A_1165, %run_scoped3A_1166, %dma_wait3A_1180] : memref<3x32x1024xf32, #tpu.memory_space<vmem>> -> memref<1x1x1024xf32, #tpu.memory_space<vmem>>
        %dma_wait3A_1182 = tpu.memref_squeeze %dma_wait3A_1181 : memref<1x1x1024xf32, #tpu.memory_space<vmem>> -> memref<1024xf32, #tpu.memory_space<vmem>>
        %dma_wait3A_1183 = arith.constant 0 : i32
        %dma_wait3A_1184 = tpu.memref_slice %arg3[%run_scoped3A, %dma_wait3A_1183] : memref<1x1024xf32, #tpu.memory_space<hbm>> -> memref<1x1024xf32, #tpu.memory_space<hbm>>
        %dma_wait3A_1185 = tpu.memref_squeeze %dma_wait3A_1184 : memref<1x1024xf32, #tpu.memory_space<hbm>> -> memref<1024xf32, #tpu.memory_space<hbm>>
        %dma_wait3A_1186 = arith.constant 0 : i32
        %dma_wait3A_1187 = tpu.memref_slice %arg5[%run_scoped3A_1165, %run_scoped3A_1166, %dma_wait3A_1186] : memref<3x32x1024xf32, #tpu.memory_space<vmem>> -> memref<1x1x1024xf32, #tpu.memory_space<vmem>>
        %dma_wait3A_1188 = tpu.memref_squeeze %dma_wait3A_1187 : memref<1x1x1024xf32, #tpu.memory_space<vmem>> -> memref<1024xf32, #tpu.memory_space<vmem>>
        %dma_wait3A_1189 = arith.constant 0 : i32
        %dma_wait3A_1190 = tpu.memref_slice %arg3[%run_scoped3A, %dma_wait3A_1189] : memref<1x1024xf32, #tpu.memory_space<hbm>> -> memref<1x1024xf32, #tpu.memory_space<hbm>>
        %dma_wait3A_1191 = tpu.memref_squeeze %dma_wait3A_1190 : memref<1x1024xf32, #tpu.memory_space<hbm>> -> memref<1024xf32, #tpu.memory_space<hbm>>
        tpu.wait_dma2 semaphore(%run_scoped3A_1167 : memref<!tpu.dma_semaphore, #tpu.memory_space<semaphore_mem>>) src(%dma_wait3A_1191 : memref<1024xf32, #tpu.memory_space<hbm>>) dst(%dma_wait3A_1188 : memref<1024xf32, #tpu.memory_space<vmem>>)
        tpu.yield
      }) : () -> ()
    } else {
    }
    %add3A_67 = arith.constant 0 : i32
    %add3A_68 = arith.addi %mul3A_2, %add3A_67 : i32
    %dma_start3A_69 = arith.constant 0 : i32
    %dma_start3A_70 = arith.constant 0 : i32
    %dma_start3A_71 = arith.constant 0 : i32
    %dma_start3A_72 = arith.constant 0 : i32
    %dma_start3A_73 = tpu.memref_slice %arg5[%dma_start3A_69, %dma_start3A_71, %dma_start3A_72] : memref<3x32x1024xf32, #tpu.memory_space<vmem>> -> memref<1x32x1024xf32, #tpu.memory_space<vmem>>
    %dma_start3A_74 = tpu.memref_squeeze %dma_start3A_73 : memref<1x32x1024xf32, #tpu.memory_space<vmem>> -> memref<32x1024xf32, #tpu.memory_space<vmem>>
    %dma_start3A_75 = arith.constant 0 : i32
    %dma_start3A_76 = tpu.memref_slice %arg4[%add3A_68, %dma_start3A_75] : memref<16384x1024xf32, #tpu.memory_space<hbm>> -> memref<32x1024xf32, #tpu.memory_space<hbm>>
    %dma_start3A_77 = tpu.memref_slice %arg7[%dma_start3A_70] : memref<3x!tpu.dma_semaphore, #tpu.memory_space<semaphore_mem>> -> memref<1x!tpu.dma_semaphore, #tpu.memory_space<semaphore_mem>>
    %dma_start3A_78 = tpu.memref_squeeze %dma_start3A_77 : memref<1x!tpu.dma_semaphore, #tpu.memory_space<semaphore_mem>> -> memref<!tpu.dma_semaphore, #tpu.memory_space<semaphore_mem>>
    %dma_start3A_79 = arith.constant 0 : i32
    %dma_start3A_80 = tpu.memref_slice %arg4[%add3A_68, %dma_start3A_79] : memref<16384x1024xf32, #tpu.memory_space<hbm>> -> memref<32x1024xf32, #tpu.memory_space<hbm>>
    %dma_start3A_81 = arith.constant 0 : i32
    %dma_start3A_82 = arith.constant 0 : i32
    %dma_start3A_83 = tpu.memref_slice %arg5[%dma_start3A_69, %dma_start3A_81, %dma_start3A_82] : memref<3x32x1024xf32, #tpu.memory_space<vmem>> -> memref<1x32x1024xf32, #tpu.memory_space<vmem>>
    %dma_start3A_84 = tpu.memref_squeeze %dma_start3A_83 : memref<1x32x1024xf32, #tpu.memory_space<vmem>> -> memref<32x1024xf32, #tpu.memory_space<vmem>>
    tpu.enqueue_dma source(%dma_start3A_84 : memref<32x1024xf32, #tpu.memory_space<vmem>>) target(%dma_start3A_80 : memref<32x1024xf32, #tpu.memory_space<hbm>>) target_semaphore(%dma_start3A_78 : memref<!tpu.dma_semaphore, #tpu.memory_space<semaphore_mem>>)
    %add3A_85 = arith.constant 64 : i32
    %add3A_86 = arith.addi %mul3A_2, %add3A_85 : i32
    %dma_start3A_87 = arith.constant 2 : i32
    %dma_start3A_88 = arith.constant 2 : i32
    %dma_start3A_89 = arith.constant 0 : i32
    %dma_start3A_90 = arith.constant 0 : i32
    %dma_start3A_91 = tpu.memref_slice %arg5[%dma_start3A_87, %dma_start3A_89, %dma_start3A_90] : memref<3x32x1024xf32, #tpu.memory_space<vmem>> -> memref<1x32x1024xf32, #tpu.memory_space<vmem>>
    %dma_start3A_92 = tpu.memref_squeeze %dma_start3A_91 : memref<1x32x1024xf32, #tpu.memory_space<vmem>> -> memref<32x1024xf32, #tpu.memory_space<vmem>>
    %dma_start3A_93 = arith.constant 0 : i32
    %dma_start3A_94 = tpu.memref_slice %arg2[%add3A_86, %dma_start3A_93] : memref<16384x1024xf32, #tpu.memory_space<hbm>> -> memref<32x1024xf32, #tpu.memory_space<hbm>>
    %dma_start3A_95 = tpu.memref_slice %arg6[%dma_start3A_88] : memref<3x!tpu.dma_semaphore, #tpu.memory_space<semaphore_mem>> -> memref<1x!tpu.dma_semaphore, #tpu.memory_space<semaphore_mem>>
    %dma_start3A_96 = tpu.memref_squeeze %dma_start3A_95 : memref<1x!tpu.dma_semaphore, #tpu.memory_space<semaphore_mem>> -> memref<!tpu.dma_semaphore, #tpu.memory_space<semaphore_mem>>
    %dma_start3A_97 = arith.constant 0 : i32
    %dma_start3A_98 = arith.constant 0 : i32
    %dma_start3A_99 = tpu.memref_slice %arg5[%dma_start3A_87, %dma_start3A_97, %dma_start3A_98] : memref<3x32x1024xf32, #tpu.memory_space<vmem>> -> memref<1x32x1024xf32, #tpu.memory_space<vmem>>
    %dma_start3A_100 = tpu.memref_squeeze %dma_start3A_99 : memref<1x32x1024xf32, #tpu.memory_space<vmem>> -> memref<32x1024xf32, #tpu.memory_space<vmem>>
    %dma_start3A_101 = arith.constant 0 : i32
    %dma_start3A_102 = tpu.memref_slice %arg2[%add3A_86, %dma_start3A_101] : memref<16384x1024xf32, #tpu.memory_space<hbm>> -> memref<32x1024xf32, #tpu.memory_space<hbm>>
    tpu.enqueue_dma source(%dma_start3A_102 : memref<32x1024xf32, #tpu.memory_space<hbm>>) target(%dma_start3A_100 : memref<32x1024xf32, #tpu.memory_space<vmem>>) target_semaphore(%dma_start3A_96 : memref<!tpu.dma_semaphore, #tpu.memory_space<semaphore_mem>>)
    %add3A_103 = arith.constant 32 : i32
    %add3A_104 = arith.addi %mul3A_2, %add3A_103 : i32
    %dma_wait3A_105 = arith.constant 1 : i32
    %dma_wait3A_106 = arith.constant 1 : i32
    %dma_wait3A_107 = arith.constant 0 : i32
    %dma_wait3A_108 = arith.constant 0 : i32
    %dma_wait3A_109 = tpu.memref_slice %arg5[%dma_wait3A_105, %dma_wait3A_107, %dma_wait3A_108] : memref<3x32x1024xf32, #tpu.memory_space<vmem>> -> memref<1x32x1024xf32, #tpu.memory_space<vmem>>
    %dma_wait3A_110 = tpu.memref_squeeze %dma_wait3A_109 : memref<1x32x1024xf32, #tpu.memory_space<vmem>> -> memref<32x1024xf32, #tpu.memory_space<vmem>>
    %dma_wait3A_111 = arith.constant 0 : i32
    %dma_wait3A_112 = tpu.memref_slice %arg2[%add3A_104, %dma_wait3A_111] : memref<16384x1024xf32, #tpu.memory_space<hbm>> -> memref<32x1024xf32, #tpu.memory_space<hbm>>
    %dma_wait3A_113 = tpu.memref_slice %arg6[%dma_wait3A_106] : memref<3x!tpu.dma_semaphore, #tpu.memory_space<semaphore_mem>> -> memref<1x!tpu.dma_semaphore, #tpu.memory_space<semaphore_mem>>
    %dma_wait3A_114 = tpu.memref_squeeze %dma_wait3A_113 : memref<1x!tpu.dma_semaphore, #tpu.memory_space<semaphore_mem>> -> memref<!tpu.dma_semaphore, #tpu.memory_space<semaphore_mem>>
    %dma_wait3A_115 = arith.constant 0 : i32
    %dma_wait3A_116 = arith.constant 0 : i32
    %dma_wait3A_117 = tpu.memref_slice %arg5[%dma_wait3A_105, %dma_wait3A_115, %dma_wait3A_116] : memref<3x32x1024xf32, #tpu.memory_space<vmem>> -> memref<1x32x1024xf32, #tpu.memory_space<vmem>>
    %dma_wait3A_118 = tpu.memref_squeeze %dma_wait3A_117 : memref<1x32x1024xf32, #tpu.memory_space<vmem>> -> memref<32x1024xf32, #tpu.memory_space<vmem>>
    %dma_wait3A_119 = arith.constant 0 : i32
    %dma_wait3A_120 = tpu.memref_slice %arg2[%add3A_104, %dma_wait3A_119] : memref<16384x1024xf32, #tpu.memory_space<hbm>> -> memref<32x1024xf32, #tpu.memory_space<hbm>>
    tpu.wait_dma2 semaphore(%dma_wait3A_114 : memref<!tpu.dma_semaphore, #tpu.memory_space<semaphore_mem>>) src(%dma_wait3A_120 : memref<32x1024xf32, #tpu.memory_space<hbm>>) dst(%dma_wait3A_118 : memref<32x1024xf32, #tpu.memory_space<vmem>>)
    %add3A_121 = arith.constant 32 : i32
    %add3A_122 = arith.addi %mul3A_2, %add3A_121 : i32
    %dma_start3A_123 = arith.constant 1 : i32
    %dma_start3A_124 = arith.constant 1 : i32
    %dma_start3A_125 = arith.constant 0 : i32
    %dma_start3A_126 = arith.constant 0 : i32
    %dma_start3A_127 = tpu.memref_slice %arg5[%dma_start3A_123, %dma_start3A_125, %dma_start3A_126] : memref<3x32x1024xf32, #tpu.memory_space<vmem>> -> memref<1x32x1024xf32, #tpu.memory_space<vmem>>
    %dma_start3A_128 = tpu.memref_squeeze %dma_start3A_127 : memref<1x32x1024xf32, #tpu.memory_space<vmem>> -> memref<32x1024xf32, #tpu.memory_space<vmem>>
    %dma_start3A_129 = arith.constant 0 : i32
    %dma_start3A_130 = tpu.memref_slice %arg4[%add3A_122, %dma_start3A_129] : memref<16384x1024xf32, #tpu.memory_space<hbm>> -> memref<32x1024xf32, #tpu.memory_space<hbm>>
    %dma_start3A_131 = tpu.memref_slice %arg7[%dma_start3A_124] : memref<3x!tpu.dma_semaphore, #tpu.memory_space<semaphore_mem>> -> memref<1x!tpu.dma_semaphore, #tpu.memory_space<semaphore_mem>>
    %dma_start3A_132 = tpu.memref_squeeze %dma_start3A_131 : memref<1x!tpu.dma_semaphore, #tpu.memory_space<semaphore_mem>> -> memref<!tpu.dma_semaphore, #tpu.memory_space<semaphore_mem>>
    %dma_start3A_133 = arith.constant 0 : i32
    %dma_start3A_134 = tpu.memref_slice %arg4[%add3A_122, %dma_start3A_133] : memref<16384x1024xf32, #tpu.memory_space<hbm>> -> memref<32x1024xf32, #tpu.memory_space<hbm>>
    %dma_start3A_135 = arith.constant 0 : i32
    %dma_start3A_136 = arith.constant 0 : i32
    %dma_start3A_137 = tpu.memref_slice %arg5[%dma_start3A_123, %dma_start3A_135, %dma_start3A_136] : memref<3x32x1024xf32, #tpu.memory_space<vmem>> -> memref<1x32x1024xf32, #tpu.memory_space<vmem>>
    %dma_start3A_138 = tpu.memref_squeeze %dma_start3A_137 : memref<1x32x1024xf32, #tpu.memory_space<vmem>> -> memref<32x1024xf32, #tpu.memory_space<vmem>>
    tpu.enqueue_dma source(%dma_start3A_138 : memref<32x1024xf32, #tpu.memory_space<vmem>>) target(%dma_start3A_134 : memref<32x1024xf32, #tpu.memory_space<hbm>>) target_semaphore(%dma_start3A_132 : memref<!tpu.dma_semaphore, #tpu.memory_space<semaphore_mem>>)
    %add3A_139 = arith.constant 0 : i32
    %add3A_140 = arith.addi %mul3A_2, %add3A_139 : i32
    %dma_wait3A_141 = arith.constant 0 : i32
    %dma_wait3A_142 = arith.constant 0 : i32
    %dma_wait3A_143 = arith.constant 0 : i32
    %dma_wait3A_144 = arith.constant 0 : i32
    %dma_wait3A_145 = tpu.memref_slice %arg5[%dma_wait3A_141, %dma_wait3A_143, %dma_wait3A_144] : memref<3x32x1024xf32, #tpu.memory_space<vmem>> -> memref<1x32x1024xf32, #tpu.memory_space<vmem>>
    %dma_wait3A_146 = tpu.memref_squeeze %dma_wait3A_145 : memref<1x32x1024xf32, #tpu.memory_space<vmem>> -> memref<32x1024xf32, #tpu.memory_space<vmem>>
    %dma_wait3A_147 = arith.constant 0 : i32
    %dma_wait3A_148 = tpu.memref_slice %arg4[%add3A_140, %dma_wait3A_147] : memref<16384x1024xf32, #tpu.memory_space<hbm>> -> memref<32x1024xf32, #tpu.memory_space<hbm>>
    %dma_wait3A_149 = tpu.memref_slice %arg7[%dma_wait3A_142] : memref<3x!tpu.dma_semaphore, #tpu.memory_space<semaphore_mem>> -> memref<1x!tpu.dma_semaphore, #tpu.memory_space<semaphore_mem>>
    %dma_wait3A_150 = tpu.memref_squeeze %dma_wait3A_149 : memref<1x!tpu.dma_semaphore, #tpu.memory_space<semaphore_mem>> -> memref<!tpu.dma_semaphore, #tpu.memory_space<semaphore_mem>>
    %dma_wait3A_151 = arith.constant 0 : i32
    %dma_wait3A_152 = tpu.memref_slice %arg4[%add3A_140, %dma_wait3A_151] : memref<16384x1024xf32, #tpu.memory_space<hbm>> -> memref<32x1024xf32, #tpu.memory_space<hbm>>
    %dma_wait3A_153 = arith.constant 0 : i32
    %dma_wait3A_154 = arith.constant 0 : i32
    %dma_wait3A_155 = tpu.memref_slice %arg5[%dma_wait3A_141, %dma_wait3A_153, %dma_wait3A_154] : memref<3x32x1024xf32, #tpu.memory_space<vmem>> -> memref<1x32x1024xf32, #tpu.memory_space<vmem>>
    %dma_wait3A_156 = tpu.memref_squeeze %dma_wait3A_155 : memref<1x32x1024xf32, #tpu.memory_space<vmem>> -> memref<32x1024xf32, #tpu.memory_space<vmem>>
    tpu.wait_dma2 semaphore(%dma_wait3A_150 : memref<!tpu.dma_semaphore, #tpu.memory_space<semaphore_mem>>) src(%dma_wait3A_156 : memref<32x1024xf32, #tpu.memory_space<vmem>>) dst(%dma_wait3A_152 : memref<32x1024xf32, #tpu.memory_space<hbm>>)
    %add3A_157 = arith.constant 96 : i32
    %add3A_158 = arith.addi %mul3A_2, %add3A_157 : i32
    %dma_start3A_159 = arith.constant 0 : i32
    %dma_start3A_160 = arith.constant 0 : i32
    %dma_start3A_161 = arith.constant 0 : i32
    %dma_start3A_162 = arith.constant 0 : i32
    %dma_start3A_163 = tpu.memref_slice %arg5[%dma_start3A_159, %dma_start3A_161, %dma_start3A_162] : memref<3x32x1024xf32, #tpu.memory_space<vmem>> -> memref<1x32x1024xf32, #tpu.memory_space<vmem>>
    %dma_start3A_164 = tpu.memref_squeeze %dma_start3A_163 : memref<1x32x1024xf32, #tpu.memory_space<vmem>> -> memref<32x1024xf32, #tpu.memory_space<vmem>>
    %dma_start3A_165 = arith.constant 0 : i32
    %dma_start3A_166 = tpu.memref_slice %arg2[%add3A_158, %dma_start3A_165] : memref<16384x1024xf32, #tpu.memory_space<hbm>> -> memref<32x1024xf32, #tpu.memory_space<hbm>>
    %dma_start3A_167 = tpu.memref_slice %arg6[%dma_start3A_160] : memref<3x!tpu.dma_semaphore, #tpu.memory_space<semaphore_mem>> -> memref<1x!tpu.dma_semaphore, #tpu.memory_space<semaphore_mem>>
    %dma_start3A_168 = tpu.memref_squeeze %dma_start3A_167 : memref<1x!tpu.dma_semaphore, #tpu.memory_space<semaphore_mem>> -> memref<!tpu.dma_semaphore, #tpu.memory_space<semaphore_mem>>
    %dma_start3A_169 = arith.constant 0 : i32
    %dma_start3A_170 = arith.constant 0 : i32
    %dma_start3A_171 = tpu.memref_slice %arg5[%dma_start3A_159, %dma_start3A_169, %dma_start3A_170] : memref<3x32x1024xf32, #tpu.memory_space<vmem>> -> memref<1x32x1024xf32, #tpu.memory_space<vmem>>
    %dma_start3A_172 = tpu.memref_squeeze %dma_start3A_171 : memref<1x32x1024xf32, #tpu.memory_space<vmem>> -> memref<32x1024xf32, #tpu.memory_space<vmem>>
    %dma_start3A_173 = arith.constant 0 : i32
    %dma_start3A_174 = tpu.memref_slice %arg2[%add3A_158, %dma_start3A_173] : memref<16384x1024xf32, #tpu.memory_space<hbm>> -> memref<32x1024xf32, #tpu.memory_space<hbm>>
    tpu.enqueue_dma source(%dma_start3A_174 : memref<32x1024xf32, #tpu.memory_space<hbm>>) target(%dma_start3A_172 : memref<32x1024xf32, #tpu.memory_space<vmem>>) target_semaphore(%dma_start3A_168 : memref<!tpu.dma_semaphore, #tpu.memory_space<semaphore_mem>>)
    %add3A_175 = arith.constant 64 : i32
    %add3A_176 = arith.addi %mul3A_2, %add3A_175 : i32
    %dma_wait3A_177 = arith.constant 2 : i32
    %dma_wait3A_178 = arith.constant 2 : i32
    %dma_wait3A_179 = arith.constant 0 : i32
    %dma_wait3A_180 = arith.constant 0 : i32
    %dma_wait3A_181 = tpu.memref_slice %arg5[%dma_wait3A_177, %dma_wait3A_179, %dma_wait3A_180] : memref<3x32x1024xf32, #tpu.memory_space<vmem>> -> memref<1x32x1024xf32, #tpu.memory_space<vmem>>
    %dma_wait3A_182 = tpu.memref_squeeze %dma_wait3A_181 : memref<1x32x1024xf32, #tpu.memory_space<vmem>> -> memref<32x1024xf32, #tpu.memory_space<vmem>>
    %dma_wait3A_183 = arith.constant 0 : i32
    %dma_wait3A_184 = tpu.memref_slice %arg2[%add3A_176, %dma_wait3A_183] : memref<16384x1024xf32, #tpu.memory_space<hbm>> -> memref<32x1024xf32, #tpu.memory_space<hbm>>
    %dma_wait3A_185 = tpu.memref_slice %arg6[%dma_wait3A_178] : memref<3x!tpu.dma_semaphore, #tpu.memory_space<semaphore_mem>> -> memref<1x!tpu.dma_semaphore, #tpu.memory_space<semaphore_mem>>
    %dma_wait3A_186 = tpu.memref_squeeze %dma_wait3A_185 : memref<1x!tpu.dma_semaphore, #tpu.memory_space<semaphore_mem>> -> memref<!tpu.dma_semaphore, #tpu.memory_space<semaphore_mem>>
    %dma_wait3A_187 = arith.constant 0 : i32
    %dma_wait3A_188 = arith.constant 0 : i32
    %dma_wait3A_189 = tpu.memref_slice %arg5[%dma_wait3A_177, %dma_wait3A_187, %dma_wait3A_188] : memref<3x32x1024xf32, #tpu.memory_space<vmem>> -> memref<1x32x1024xf32, #tpu.memory_space<vmem>>
    %dma_wait3A_190 = tpu.memref_squeeze %dma_wait3A_189 : memref<1x32x1024xf32, #tpu.memory_space<vmem>> -> memref<32x1024xf32, #tpu.memory_space<vmem>>
    %dma_wait3A_191 = arith.constant 0 : i32
    %dma_wait3A_192 = tpu.memref_slice %arg2[%add3A_176, %dma_wait3A_191] : memref<16384x1024xf32, #tpu.memory_space<hbm>> -> memref<32x1024xf32, #tpu.memory_space<hbm>>
    tpu.wait_dma2 semaphore(%dma_wait3A_186 : memref<!tpu.dma_semaphore, #tpu.memory_space<semaphore_mem>>) src(%dma_wait3A_192 : memref<32x1024xf32, #tpu.memory_space<hbm>>) dst(%dma_wait3A_190 : memref<32x1024xf32, #tpu.memory_space<vmem>>)
    %add3A_193 = arith.constant 64 : i32
    %add3A_194 = arith.addi %mul3A_2, %add3A_193 : i32
    %dma_start3A_195 = arith.constant 2 : i32
    %dma_start3A_196 = arith.constant 2 : i32
    %dma_start3A_197 = arith.constant 0 : i32
    %dma_start3A_198 = arith.constant 0 : i32
    %dma_start3A_199 = tpu.memref_slice %arg5[%dma_start3A_195, %dma_start3A_197, %dma_start3A_198] : memref<3x32x1024xf32, #tpu.memory_space<vmem>> -> memref<1x32x1024xf32, #tpu.memory_space<vmem>>
    %dma_start3A_200 = tpu.memref_squeeze %dma_start3A_199 : memref<1x32x1024xf32, #tpu.memory_space<vmem>> -> memref<32x1024xf32, #tpu.memory_space<vmem>>
    %dma_start3A_201 = arith.constant 0 : i32
    %dma_start3A_202 = tpu.memref_slice %arg4[%add3A_194, %dma_start3A_201] : memref<16384x1024xf32, #tpu.memory_space<hbm>> -> memref<32x1024xf32, #tpu.memory_space<hbm>>
    %dma_start3A_203 = tpu.memref_slice %arg7[%dma_start3A_196] : memref<3x!tpu.dma_semaphore, #tpu.memory_space<semaphore_mem>> -> memref<1x!tpu.dma_semaphore, #tpu.memory_space<semaphore_mem>>
    %dma_start3A_204 = tpu.memref_squeeze %dma_start3A_203 : memref<1x!tpu.dma_semaphore, #tpu.memory_space<semaphore_mem>> -> memref<!tpu.dma_semaphore, #tpu.memory_space<semaphore_mem>>
    %dma_start3A_205 = arith.constant 0 : i32
    %dma_start3A_206 = tpu.memref_slice %arg4[%add3A_194, %dma_start3A_205] : memref<16384x1024xf32, #tpu.memory_space<hbm>> -> memref<32x1024xf32, #tpu.memory_space<hbm>>
    %dma_start3A_207 = arith.constant 0 : i32
    %dma_start3A_208 = arith.constant 0 : i32
    %dma_start3A_209 = tpu.memref_slice %arg5[%dma_start3A_195, %dma_start3A_207, %dma_start3A_208] : memref<3x32x1024xf32, #tpu.memory_space<vmem>> -> memref<1x32x1024xf32, #tpu.memory_space<vmem>>
    %dma_start3A_210 = tpu.memref_squeeze %dma_start3A_209 : memref<1x32x1024xf32, #tpu.memory_space<vmem>> -> memref<32x1024xf32, #tpu.memory_space<vmem>>
    tpu.enqueue_dma source(%dma_start3A_210 : memref<32x1024xf32, #tpu.memory_space<vmem>>) target(%dma_start3A_206 : memref<32x1024xf32, #tpu.memory_space<hbm>>) target_semaphore(%dma_start3A_204 : memref<!tpu.dma_semaphore, #tpu.memory_space<semaphore_mem>>)
    %add3A_211 = arith.constant 32 : i32
    %add3A_212 = arith.addi %mul3A_2, %add3A_211 : i32
    %dma_wait3A_213 = arith.constant 1 : i32
    %dma_wait3A_214 = arith.constant 1 : i32
    %dma_wait3A_215 = arith.constant 0 : i32
    %dma_wait3A_216 = arith.constant 0 : i32
    %dma_wait3A_217 = tpu.memref_slice %arg5[%dma_wait3A_213, %dma_wait3A_215, %dma_wait3A_216] : memref<3x32x1024xf32, #tpu.memory_space<vmem>> -> memref<1x32x1024xf32, #tpu.memory_space<vmem>>
    %dma_wait3A_218 = tpu.memref_squeeze %dma_wait3A_217 : memref<1x32x1024xf32, #tpu.memory_space<vmem>> -> memref<32x1024xf32, #tpu.memory_space<vmem>>
    %dma_wait3A_219 = arith.constant 0 : i32
    %dma_wait3A_220 = tpu.memref_slice %arg4[%add3A_212, %dma_wait3A_219] : memref<16384x1024xf32, #tpu.memory_space<hbm>> -> memref<32x1024xf32, #tpu.memory_space<hbm>>
    %dma_wait3A_221 = tpu.memref_slice %arg7[%dma_wait3A_214] : memref<3x!tpu.dma_semaphore, #tpu.memory_space<semaphore_mem>> -> memref<1x!tpu.dma_semaphore, #tpu.memory_space<semaphore_mem>>
    %dma_wait3A_222 = tpu.memref_squeeze %dma_wait3A_221 : memref<1x!tpu.dma_semaphore, #tpu.memory_space<semaphore_mem>> -> memref<!tpu.dma_semaphore, #tpu.memory_space<semaphore_mem>>
    %dma_wait3A_223 = arith.constant 0 : i32
    %dma_wait3A_224 = tpu.memref_slice %arg4[%add3A_212, %dma_wait3A_223] : memref<16384x1024xf32, #tpu.memory_space<hbm>> -> memref<32x1024xf32, #tpu.memory_space<hbm>>
    %dma_wait3A_225 = arith.constant 0 : i32
    %dma_wait3A_226 = arith.constant 0 : i32
    %dma_wait3A_227 = tpu.memref_slice %arg5[%dma_wait3A_213, %dma_wait3A_225, %dma_wait3A_226] : memref<3x32x1024xf32, #tpu.memory_space<vmem>> -> memref<1x32x1024xf32, #tpu.memory_space<vmem>>
    %dma_wait3A_228 = tpu.memref_squeeze %dma_wait3A_227 : memref<1x32x1024xf32, #tpu.memory_space<vmem>> -> memref<32x1024xf32, #tpu.memory_space<vmem>>
    tpu.wait_dma2 semaphore(%dma_wait3A_222 : memref<!tpu.dma_semaphore, #tpu.memory_space<semaphore_mem>>) src(%dma_wait3A_228 : memref<32x1024xf32, #tpu.memory_space<vmem>>) dst(%dma_wait3A_224 : memref<32x1024xf32, #tpu.memory_space<hbm>>)
    %add3A_229 = arith.constant 128 : i32
    %add3A_230 = arith.addi %mul3A_2, %add3A_229 : i32
    %dma_start3A_231 = arith.constant 1 : i32
    %dma_start3A_232 = arith.constant 1 : i32
    %dma_start3A_233 = arith.constant 0 : i32
    %dma_start3A_234 = arith.constant 0 : i32
    %dma_start3A_235 = tpu.memref_slice %arg5[%dma_start3A_231, %dma_start3A_233, %dma_start3A_234] : memref<3x32x1024xf32, #tpu.memory_space<vmem>> -> memref<1x32x1024xf32, #tpu.memory_space<vmem>>
    %dma_start3A_236 = tpu.memref_squeeze %dma_start3A_235 : memref<1x32x1024xf32, #tpu.memory_space<vmem>> -> memref<32x1024xf32, #tpu.memory_space<vmem>>
    %dma_start3A_237 = arith.constant 0 : i32
    %dma_start3A_238 = tpu.memref_slice %arg2[%add3A_230, %dma_start3A_237] : memref<16384x1024xf32, #tpu.memory_space<hbm>> -> memref<32x1024xf32, #tpu.memory_space<hbm>>
    %dma_start3A_239 = tpu.memref_slice %arg6[%dma_start3A_232] : memref<3x!tpu.dma_semaphore, #tpu.memory_space<semaphore_mem>> -> memref<1x!tpu.dma_semaphore, #tpu.memory_space<semaphore_mem>>
    %dma_start3A_240 = tpu.memref_squeeze %dma_start3A_239 : memref<1x!tpu.dma_semaphore, #tpu.memory_space<semaphore_mem>> -> memref<!tpu.dma_semaphore, #tpu.memory_space<semaphore_mem>>
    %dma_start3A_241 = arith.constant 0 : i32
    %dma_start3A_242 = arith.constant 0 : i32
    %dma_start3A_243 = tpu.memref_slice %arg5[%dma_start3A_231, %dma_start3A_241, %dma_start3A_242] : memref<3x32x1024xf32, #tpu.memory_space<vmem>> -> memref<1x32x1024xf32, #tpu.memory_space<vmem>>
    %dma_start3A_244 = tpu.memref_squeeze %dma_start3A_243 : memref<1x32x1024xf32, #tpu.memory_space<vmem>> -> memref<32x1024xf32, #tpu.memory_space<vmem>>
    %dma_start3A_245 = arith.constant 0 : i32
    %dma_start3A_246 = tpu.memref_slice %arg2[%add3A_230, %dma_start3A_245] : memref<16384x1024xf32, #tpu.memory_space<hbm>> -> memref<32x1024xf32, #tpu.memory_space<hbm>>
    tpu.enqueue_dma source(%dma_start3A_246 : memref<32x1024xf32, #tpu.memory_space<hbm>>) target(%dma_start3A_244 : memref<32x1024xf32, #tpu.memory_space<vmem>>) target_semaphore(%dma_start3A_240 : memref<!tpu.dma_semaphore, #tpu.memory_space<semaphore_mem>>)
    %add3A_247 = arith.constant 96 : i32
    %add3A_248 = arith.addi %mul3A_2, %add3A_247 : i32
    %dma_wait3A_249 = arith.constant 0 : i32
    %dma_wait3A_250 = arith.constant 0 : i32
    %dma_wait3A_251 = arith.constant 0 : i32
    %dma_wait3A_252 = arith.constant 0 : i32
    %dma_wait3A_253 = tpu.memref_slice %arg5[%dma_wait3A_249, %dma_wait3A_251, %dma_wait3A_252] : memref<3x32x1024xf32, #tpu.memory_space<vmem>> -> memref<1x32x1024xf32, #tpu.memory_space<vmem>>
    %dma_wait3A_254 = tpu.memref_squeeze %dma_wait3A_253 : memref<1x32x1024xf32, #tpu.memory_space<vmem>> -> memref<32x1024xf32, #tpu.memory_space<vmem>>
    %dma_wait3A_255 = arith.constant 0 : i32
    %dma_wait3A_256 = tpu.memref_slice %arg2[%add3A_248, %dma_wait3A_255] : memref<16384x1024xf32, #tpu.memory_space<hbm>> -> memref<32x1024xf32, #tpu.memory_space<hbm>>
    %dma_wait3A_257 = tpu.memref_slice %arg6[%dma_wait3A_250] : memref<3x!tpu.dma_semaphore, #tpu.memory_space<semaphore_mem>> -> memref<1x!tpu.dma_semaphore, #tpu.memory_space<semaphore_mem>>
    %dma_wait3A_258 = tpu.memref_squeeze %dma_wait3A_257 : memref<1x!tpu.dma_semaphore, #tpu.memory_space<semaphore_mem>> -> memref<!tpu.dma_semaphore, #tpu.memory_space<semaphore_mem>>
    %dma_wait3A_259 = arith.constant 0 : i32
    %dma_wait3A_260 = arith.constant 0 : i32
    %dma_wait3A_261 = tpu.memref_slice %arg5[%dma_wait3A_249, %dma_wait3A_259, %dma_wait3A_260] : memref<3x32x1024xf32, #tpu.memory_space<vmem>> -> memref<1x32x1024xf32, #tpu.memory_space<vmem>>
    %dma_wait3A_262 = tpu.memref_squeeze %dma_wait3A_261 : memref<1x32x1024xf32, #tpu.memory_space<vmem>> -> memref<32x1024xf32, #tpu.memory_space<vmem>>
    %dma_wait3A_263 = arith.constant 0 : i32
    %dma_wait3A_264 = tpu.memref_slice %arg2[%add3A_248, %dma_wait3A_263] : memref<16384x1024xf32, #tpu.memory_space<hbm>> -> memref<32x1024xf32, #tpu.memory_space<hbm>>
    tpu.wait_dma2 semaphore(%dma_wait3A_258 : memref<!tpu.dma_semaphore, #tpu.memory_space<semaphore_mem>>) src(%dma_wait3A_264 : memref<32x1024xf32, #tpu.memory_space<hbm>>) dst(%dma_wait3A_262 : memref<32x1024xf32, #tpu.memory_space<vmem>>)
    %add3A_265 = arith.constant 96 : i32
    %add3A_266 = arith.addi %mul3A_2, %add3A_265 : i32
    %dma_start3A_267 = arith.constant 0 : i32
    %dma_start3A_268 = arith.constant 0 : i32
    %dma_start3A_269 = arith.constant 0 : i32
    %dma_start3A_270 = arith.constant 0 : i32
    %dma_start3A_271 = tpu.memref_slice %arg5[%dma_start3A_267, %dma_start3A_269, %dma_start3A_270] : memref<3x32x1024xf32, #tpu.memory_space<vmem>> -> memref<1x32x1024xf32, #tpu.memory_space<vmem>>
    %dma_start3A_272 = tpu.memref_squeeze %dma_start3A_271 : memref<1x32x1024xf32, #tpu.memory_space<vmem>> -> memref<32x1024xf32, #tpu.memory_space<vmem>>
    %dma_start3A_273 = arith.constant 0 : i32
    %dma_start3A_274 = tpu.memref_slice %arg4[%add3A_266, %dma_start3A_273] : memref<16384x1024xf32, #tpu.memory_space<hbm>> -> memref<32x1024xf32, #tpu.memory_space<hbm>>
    %dma_start3A_275 = tpu.memref_slice %arg7[%dma_start3A_268] : memref<3x!tpu.dma_semaphore, #tpu.memory_space<semaphore_mem>> -> memref<1x!tpu.dma_semaphore, #tpu.memory_space<semaphore_mem>>
    %dma_start3A_276 = tpu.memref_squeeze %dma_start3A_275 : memref<1x!tpu.dma_semaphore, #tpu.memory_space<semaphore_mem>> -> memref<!tpu.dma_semaphore, #tpu.memory_space<semaphore_mem>>
    %dma_start3A_277 = arith.constant 0 : i32
    %dma_start3A_278 = tpu.memref_slice %arg4[%add3A_266, %dma_start3A_277] : memref<16384x1024xf32, #tpu.memory_space<hbm>> -> memref<32x1024xf32, #tpu.memory_space<hbm>>
    %dma_start3A_279 = arith.constant 0 : i32
    %dma_start3A_280 = arith.constant 0 : i32
    %dma_start3A_281 = tpu.memref_slice %arg5[%dma_start3A_267, %dma_start3A_279, %dma_start3A_280] : memref<3x32x1024xf32, #tpu.memory_space<vmem>> -> memref<1x32x1024xf32, #tpu.memory_space<vmem>>
    %dma_start3A_282 = tpu.memref_squeeze %dma_start3A_281 : memref<1x32x1024xf32, #tpu.memory_space<vmem>> -> memref<32x1024xf32, #tpu.memory_space<vmem>>
    tpu.enqueue_dma source(%dma_start3A_282 : memref<32x1024xf32, #tpu.memory_space<vmem>>) target(%dma_start3A_278 : memref<32x1024xf32, #tpu.memory_space<hbm>>) target_semaphore(%dma_start3A_276 : memref<!tpu.dma_semaphore, #tpu.memory_space<semaphore_mem>>)
    %add3A_283 = arith.constant 64 : i32
    %add3A_284 = arith.addi %mul3A_2, %add3A_283 : i32
    %dma_wait3A_285 = arith.constant 2 : i32
    %dma_wait3A_286 = arith.constant 2 : i32
    %dma_wait3A_287 = arith.constant 0 : i32
    %dma_wait3A_288 = arith.constant 0 : i32
    %dma_wait3A_289 = tpu.memref_slice %arg5[%dma_wait3A_285, %dma_wait3A_287, %dma_wait3A_288] : memref<3x32x1024xf32, #tpu.memory_space<vmem>> -> memref<1x32x1024xf32, #tpu.memory_space<vmem>>
    %dma_wait3A_290 = tpu.memref_squeeze %dma_wait3A_289 : memref<1x32x1024xf32, #tpu.memory_space<vmem>> -> memref<32x1024xf32, #tpu.memory_space<vmem>>
    %dma_wait3A_291 = arith.constant 0 : i32
    %dma_wait3A_292 = tpu.memref_slice %arg4[%add3A_284, %dma_wait3A_291] : memref<16384x1024xf32, #tpu.memory_space<hbm>> -> memref<32x1024xf32, #tpu.memory_space<hbm>>
    %dma_wait3A_293 = tpu.memref_slice %arg7[%dma_wait3A_286] : memref<3x!tpu.dma_semaphore, #tpu.memory_space<semaphore_mem>> -> memref<1x!tpu.dma_semaphore, #tpu.memory_space<semaphore_mem>>
    %dma_wait3A_294 = tpu.memref_squeeze %dma_wait3A_293 : memref<1x!tpu.dma_semaphore, #tpu.memory_space<semaphore_mem>> -> memref<!tpu.dma_semaphore, #tpu.memory_space<semaphore_mem>>
    %dma_wait3A_295 = arith.constant 0 : i32
    %dma_wait3A_296 = tpu.memref_slice %arg4[%add3A_284, %dma_wait3A_295] : memref<16384x1024xf32, #tpu.memory_space<hbm>> -> memref<32x1024xf32, #tpu.memory_space<hbm>>
    %dma_wait3A_297 = arith.constant 0 : i32
    %dma_wait3A_298 = arith.constant 0 : i32
    %dma_wait3A_299 = tpu.memref_slice %arg5[%dma_wait3A_285, %dma_wait3A_297, %dma_wait3A_298] : memref<3x32x1024xf32, #tpu.memory_space<vmem>> -> memref<1x32x1024xf32, #tpu.memory_space<vmem>>
    %dma_wait3A_300 = tpu.memref_squeeze %dma_wait3A_299 : memref<1x32x1024xf32, #tpu.memory_space<vmem>> -> memref<32x1024xf32, #tpu.memory_space<vmem>>
    tpu.wait_dma2 semaphore(%dma_wait3A_294 : memref<!tpu.dma_semaphore, #tpu.memory_space<semaphore_mem>>) src(%dma_wait3A_300 : memref<32x1024xf32, #tpu.memory_space<vmem>>) dst(%dma_wait3A_296 : memref<32x1024xf32, #tpu.memory_space<hbm>>)
    %add3A_301 = arith.constant 160 : i32
    %add3A_302 = arith.addi %mul3A_2, %add3A_301 : i32
    %dma_start3A_303 = arith.constant 2 : i32
    %dma_start3A_304 = arith.constant 2 : i32
    %dma_start3A_305 = arith.constant 0 : i32
    %dma_start3A_306 = arith.constant 0 : i32
    %dma_start3A_307 = tpu.memref_slice %arg5[%dma_start3A_303, %dma_start3A_305, %dma_start3A_306] : memref<3x32x1024xf32, #tpu.memory_space<vmem>> -> memref<1x32x1024xf32, #tpu.memory_space<vmem>>
    %dma_start3A_308 = tpu.memref_squeeze %dma_start3A_307 : memref<1x32x1024xf32, #tpu.memory_space<vmem>> -> memref<32x1024xf32, #tpu.memory_space<vmem>>
    %dma_start3A_309 = arith.constant 0 : i32
    %dma_start3A_310 = tpu.memref_slice %arg2[%add3A_302, %dma_start3A_309] : memref<16384x1024xf32, #tpu.memory_space<hbm>> -> memref<32x1024xf32, #tpu.memory_space<hbm>>
    %dma_start3A_311 = tpu.memref_slice %arg6[%dma_start3A_304] : memref<3x!tpu.dma_semaphore, #tpu.memory_space<semaphore_mem>> -> memref<1x!tpu.dma_semaphore, #tpu.memory_space<semaphore_mem>>
    %dma_start3A_312 = tpu.memref_squeeze %dma_start3A_311 : memref<1x!tpu.dma_semaphore, #tpu.memory_space<semaphore_mem>> -> memref<!tpu.dma_semaphore, #tpu.memory_space<semaphore_mem>>
    %dma_start3A_313 = arith.constant 0 : i32
    %dma_start3A_314 = arith.constant 0 : i32
    %dma_start3A_315 = tpu.memref_slice %arg5[%dma_start3A_303, %dma_start3A_313, %dma_start3A_314] : memref<3x32x1024xf32, #tpu.memory_space<vmem>> -> memref<1x32x1024xf32, #tpu.memory_space<vmem>>
    %dma_start3A_316 = tpu.memref_squeeze %dma_start3A_315 : memref<1x32x1024xf32, #tpu.memory_space<vmem>> -> memref<32x1024xf32, #tpu.memory_space<vmem>>
    %dma_start3A_317 = arith.constant 0 : i32
    %dma_start3A_318 = tpu.memref_slice %arg2[%add3A_302, %dma_start3A_317] : memref<16384x1024xf32, #tpu.memory_space<hbm>> -> memref<32x1024xf32, #tpu.memory_space<hbm>>
    tpu.enqueue_dma source(%dma_start3A_318 : memref<32x1024xf32, #tpu.memory_space<hbm>>) target(%dma_start3A_316 : memref<32x1024xf32, #tpu.memory_space<vmem>>) target_semaphore(%dma_start3A_312 : memref<!tpu.dma_semaphore, #tpu.memory_space<semaphore_mem>>)
    %add3A_319 = arith.constant 128 : i32
    %add3A_320 = arith.addi %mul3A_2, %add3A_319 : i32
    %dma_wait3A_321 = arith.constant 1 : i32
    %dma_wait3A_322 = arith.constant 1 : i32
    %dma_wait3A_323 = arith.constant 0 : i32
    %dma_wait3A_324 = arith.constant 0 : i32
    %dma_wait3A_325 = tpu.memref_slice %arg5[%dma_wait3A_321, %dma_wait3A_323, %dma_wait3A_324] : memref<3x32x1024xf32, #tpu.memory_space<vmem>> -> memref<1x32x1024xf32, #tpu.memory_space<vmem>>
    %dma_wait3A_326 = tpu.memref_squeeze %dma_wait3A_325 : memref<1x32x1024xf32, #tpu.memory_space<vmem>> -> memref<32x1024xf32, #tpu.memory_space<vmem>>
    %dma_wait3A_327 = arith.constant 0 : i32
    %dma_wait3A_328 = tpu.memref_slice %arg2[%add3A_320, %dma_wait3A_327] : memref<16384x1024xf32, #tpu.memory_space<hbm>> -> memref<32x1024xf32, #tpu.memory_space<hbm>>
    %dma_wait3A_329 = tpu.memref_slice %arg6[%dma_wait3A_322] : memref<3x!tpu.dma_semaphore, #tpu.memory_space<semaphore_mem>> -> memref<1x!tpu.dma_semaphore, #tpu.memory_space<semaphore_mem>>
    %dma_wait3A_330 = tpu.memref_squeeze %dma_wait3A_329 : memref<1x!tpu.dma_semaphore, #tpu.memory_space<semaphore_mem>> -> memref<!tpu.dma_semaphore, #tpu.memory_space<semaphore_mem>>
    %dma_wait3A_331 = arith.constant 0 : i32
    %dma_wait3A_332 = arith.constant 0 : i32
    %dma_wait3A_333 = tpu.memref_slice %arg5[%dma_wait3A_321, %dma_wait3A_331, %dma_wait3A_332] : memref<3x32x1024xf32, #tpu.memory_space<vmem>> -> memref<1x32x1024xf32, #tpu.memory_space<vmem>>
    %dma_wait3A_334 = tpu.memref_squeeze %dma_wait3A_333 : memref<1x32x1024xf32, #tpu.memory_space<vmem>> -> memref<32x1024xf32, #tpu.memory_space<vmem>>
    %dma_wait3A_335 = arith.constant 0 : i32
    %dma_wait3A_336 = tpu.memref_slice %arg2[%add3A_320, %dma_wait3A_335] : memref<16384x1024xf32, #tpu.memory_space<hbm>> -> memref<32x1024xf32, #tpu.memory_space<hbm>>
    tpu.wait_dma2 semaphore(%dma_wait3A_330 : memref<!tpu.dma_semaphore, #tpu.memory_space<semaphore_mem>>) src(%dma_wait3A_336 : memref<32x1024xf32, #tpu.memory_space<hbm>>) dst(%dma_wait3A_334 : memref<32x1024xf32, #tpu.memory_space<vmem>>)
    %add3A_337 = arith.constant 128 : i32
    %add3A_338 = arith.addi %mul3A_2, %add3A_337 : i32
    %dma_start3A_339 = arith.constant 1 : i32
    %dma_start3A_340 = arith.constant 1 : i32
    %dma_start3A_341 = arith.constant 0 : i32
    %dma_start3A_342 = arith.constant 0 : i32
    %dma_start3A_343 = tpu.memref_slice %arg5[%dma_start3A_339, %dma_start3A_341, %dma_start3A_342] : memref<3x32x1024xf32, #tpu.memory_space<vmem>> -> memref<1x32x1024xf32, #tpu.memory_space<vmem>>
    %dma_start3A_344 = tpu.memref_squeeze %dma_start3A_343 : memref<1x32x1024xf32, #tpu.memory_space<vmem>> -> memref<32x1024xf32, #tpu.memory_space<vmem>>
    %dma_start3A_345 = arith.constant 0 : i32
    %dma_start3A_346 = tpu.memref_slice %arg4[%add3A_338, %dma_start3A_345] : memref<16384x1024xf32, #tpu.memory_space<hbm>> -> memref<32x1024xf32, #tpu.memory_space<hbm>>
    %dma_start3A_347 = tpu.memref_slice %arg7[%dma_start3A_340] : memref<3x!tpu.dma_semaphore, #tpu.memory_space<semaphore_mem>> -> memref<1x!tpu.dma_semaphore, #tpu.memory_space<semaphore_mem>>
    %dma_start3A_348 = tpu.memref_squeeze %dma_start3A_347 : memref<1x!tpu.dma_semaphore, #tpu.memory_space<semaphore_mem>> -> memref<!tpu.dma_semaphore, #tpu.memory_space<semaphore_mem>>
    %dma_start3A_349 = arith.constant 0 : i32
    %dma_start3A_350 = tpu.memref_slice %arg4[%add3A_338, %dma_start3A_349] : memref<16384x1024xf32, #tpu.memory_space<hbm>> -> memref<32x1024xf32, #tpu.memory_space<hbm>>
    %dma_start3A_351 = arith.constant 0 : i32
    %dma_start3A_352 = arith.constant 0 : i32
    %dma_start3A_353 = tpu.memref_slice %arg5[%dma_start3A_339, %dma_start3A_351, %dma_start3A_352] : memref<3x32x1024xf32, #tpu.memory_space<vmem>> -> memref<1x32x1024xf32, #tpu.memory_space<vmem>>
    %dma_start3A_354 = tpu.memref_squeeze %dma_start3A_353 : memref<1x32x1024xf32, #tpu.memory_space<vmem>> -> memref<32x1024xf32, #tpu.memory_space<vmem>>
    tpu.enqueue_dma source(%dma_start3A_354 : memref<32x1024xf32, #tpu.memory_space<vmem>>) target(%dma_start3A_350 : memref<32x1024xf32, #tpu.memory_space<hbm>>) target_semaphore(%dma_start3A_348 : memref<!tpu.dma_semaphore, #tpu.memory_space<semaphore_mem>>)
    %add3A_355 = arith.constant 96 : i32
    %add3A_356 = arith.addi %mul3A_2, %add3A_355 : i32
    %dma_wait3A_357 = arith.constant 0 : i32
    %dma_wait3A_358 = arith.constant 0 : i32
    %dma_wait3A_359 = arith.constant 0 : i32
    %dma_wait3A_360 = arith.constant 0 : i32
    %dma_wait3A_361 = tpu.memref_slice %arg5[%dma_wait3A_357, %dma_wait3A_359, %dma_wait3A_360] : memref<3x32x1024xf32, #tpu.memory_space<vmem>> -> memref<1x32x1024xf32, #tpu.memory_space<vmem>>
    %dma_wait3A_362 = tpu.memref_squeeze %dma_wait3A_361 : memref<1x32x1024xf32, #tpu.memory_space<vmem>> -> memref<32x1024xf32, #tpu.memory_space<vmem>>
    %dma_wait3A_363 = arith.constant 0 : i32
    %dma_wait3A_364 = tpu.memref_slice %arg4[%add3A_356, %dma_wait3A_363] : memref<16384x1024xf32, #tpu.memory_space<hbm>> -> memref<32x1024xf32, #tpu.memory_space<hbm>>
    %dma_wait3A_365 = tpu.memref_slice %arg7[%dma_wait3A_358] : memref<3x!tpu.dma_semaphore, #tpu.memory_space<semaphore_mem>> -> memref<1x!tpu.dma_semaphore, #tpu.memory_space<semaphore_mem>>
    %dma_wait3A_366 = tpu.memref_squeeze %dma_wait3A_365 : memref<1x!tpu.dma_semaphore, #tpu.memory_space<semaphore_mem>> -> memref<!tpu.dma_semaphore, #tpu.memory_space<semaphore_mem>>
    %dma_wait3A_367 = arith.constant 0 : i32
    %dma_wait3A_368 = tpu.memref_slice %arg4[%add3A_356, %dma_wait3A_367] : memref<16384x1024xf32, #tpu.memory_space<hbm>> -> memref<32x1024xf32, #tpu.memory_space<hbm>>
    %dma_wait3A_369 = arith.constant 0 : i32
    %dma_wait3A_370 = arith.constant 0 : i32
    %dma_wait3A_371 = tpu.memref_slice %arg5[%dma_wait3A_357, %dma_wait3A_369, %dma_wait3A_370] : memref<3x32x1024xf32, #tpu.memory_space<vmem>> -> memref<1x32x1024xf32, #tpu.memory_space<vmem>>
    %dma_wait3A_372 = tpu.memref_squeeze %dma_wait3A_371 : memref<1x32x1024xf32, #tpu.memory_space<vmem>> -> memref<32x1024xf32, #tpu.memory_space<vmem>>
    tpu.wait_dma2 semaphore(%dma_wait3A_366 : memref<!tpu.dma_semaphore, #tpu.memory_space<semaphore_mem>>) src(%dma_wait3A_372 : memref<32x1024xf32, #tpu.memory_space<vmem>>) dst(%dma_wait3A_368 : memref<32x1024xf32, #tpu.memory_space<hbm>>)
    %add3A_373 = arith.constant 192 : i32
    %add3A_374 = arith.addi %mul3A_2, %add3A_373 : i32
    %dma_start3A_375 = arith.constant 0 : i32
    %dma_start3A_376 = arith.constant 0 : i32
    %dma_start3A_377 = arith.constant 0 : i32
    %dma_start3A_378 = arith.constant 0 : i32
    %dma_start3A_379 = tpu.memref_slice %arg5[%dma_start3A_375, %dma_start3A_377, %dma_start3A_378] : memref<3x32x1024xf32, #tpu.memory_space<vmem>> -> memref<1x32x1024xf32, #tpu.memory_space<vmem>>
    %dma_start3A_380 = tpu.memref_squeeze %dma_start3A_379 : memref<1x32x1024xf32, #tpu.memory_space<vmem>> -> memref<32x1024xf32, #tpu.memory_space<vmem>>
    %dma_start3A_381 = arith.constant 0 : i32
    %dma_start3A_382 = tpu.memref_slice %arg2[%add3A_374, %dma_start3A_381] : memref<16384x1024xf32, #tpu.memory_space<hbm>> -> memref<32x1024xf32, #tpu.memory_space<hbm>>
    %dma_start3A_383 = tpu.memref_slice %arg6[%dma_start3A_376] : memref<3x!tpu.dma_semaphore, #tpu.memory_space<semaphore_mem>> -> memref<1x!tpu.dma_semaphore, #tpu.memory_space<semaphore_mem>>
    %dma_start3A_384 = tpu.memref_squeeze %dma_start3A_383 : memref<1x!tpu.dma_semaphore, #tpu.memory_space<semaphore_mem>> -> memref<!tpu.dma_semaphore, #tpu.memory_space<semaphore_mem>>
    %dma_start3A_385 = arith.constant 0 : i32
    %dma_start3A_386 = arith.constant 0 : i32
    %dma_start3A_387 = tpu.memref_slice %arg5[%dma_start3A_375, %dma_start3A_385, %dma_start3A_386] : memref<3x32x1024xf32, #tpu.memory_space<vmem>> -> memref<1x32x1024xf32, #tpu.memory_space<vmem>>
    %dma_start3A_388 = tpu.memref_squeeze %dma_start3A_387 : memref<1x32x1024xf32, #tpu.memory_space<vmem>> -> memref<32x1024xf32, #tpu.memory_space<vmem>>
    %dma_start3A_389 = arith.constant 0 : i32
    %dma_start3A_390 = tpu.memref_slice %arg2[%add3A_374, %dma_start3A_389] : memref<16384x1024xf32, #tpu.memory_space<hbm>> -> memref<32x1024xf32, #tpu.memory_space<hbm>>
    tpu.enqueue_dma source(%dma_start3A_390 : memref<32x1024xf32, #tpu.memory_space<hbm>>) target(%dma_start3A_388 : memref<32x1024xf32, #tpu.memory_space<vmem>>) target_semaphore(%dma_start3A_384 : memref<!tpu.dma_semaphore, #tpu.memory_space<semaphore_mem>>)
    %add3A_391 = arith.constant 160 : i32
    %add3A_392 = arith.addi %mul3A_2, %add3A_391 : i32
    %dma_wait3A_393 = arith.constant 2 : i32
    %dma_wait3A_394 = arith.constant 2 : i32
    %dma_wait3A_395 = arith.constant 0 : i32
    %dma_wait3A_396 = arith.constant 0 : i32
    %dma_wait3A_397 = tpu.memref_slice %arg5[%dma_wait3A_393, %dma_wait3A_395, %dma_wait3A_396] : memref<3x32x1024xf32, #tpu.memory_space<vmem>> -> memref<1x32x1024xf32, #tpu.memory_space<vmem>>
    %dma_wait3A_398 = tpu.memref_squeeze %dma_wait3A_397 : memref<1x32x1024xf32, #tpu.memory_space<vmem>> -> memref<32x1024xf32, #tpu.memory_space<vmem>>
    %dma_wait3A_399 = arith.constant 0 : i32
    %dma_wait3A_400 = tpu.memref_slice %arg2[%add3A_392, %dma_wait3A_399] : memref<16384x1024xf32, #tpu.memory_space<hbm>> -> memref<32x1024xf32, #tpu.memory_space<hbm>>
    %dma_wait3A_401 = tpu.memref_slice %arg6[%dma_wait3A_394] : memref<3x!tpu.dma_semaphore, #tpu.memory_space<semaphore_mem>> -> memref<1x!tpu.dma_semaphore, #tpu.memory_space<semaphore_mem>>
    %dma_wait3A_402 = tpu.memref_squeeze %dma_wait3A_401 : memref<1x!tpu.dma_semaphore, #tpu.memory_space<semaphore_mem>> -> memref<!tpu.dma_semaphore, #tpu.memory_space<semaphore_mem>>
    %dma_wait3A_403 = arith.constant 0 : i32
    %dma_wait3A_404 = arith.constant 0 : i32
    %dma_wait3A_405 = tpu.memref_slice %arg5[%dma_wait3A_393, %dma_wait3A_403, %dma_wait3A_404] : memref<3x32x1024xf32, #tpu.memory_space<vmem>> -> memref<1x32x1024xf32, #tpu.memory_space<vmem>>
    %dma_wait3A_406 = tpu.memref_squeeze %dma_wait3A_405 : memref<1x32x1024xf32, #tpu.memory_space<vmem>> -> memref<32x1024xf32, #tpu.memory_space<vmem>>
    %dma_wait3A_407 = arith.constant 0 : i32
    %dma_wait3A_408 = tpu.memref_slice %arg2[%add3A_392, %dma_wait3A_407] : memref<16384x1024xf32, #tpu.memory_space<hbm>> -> memref<32x1024xf32, #tpu.memory_space<hbm>>
    tpu.wait_dma2 semaphore(%dma_wait3A_402 : memref<!tpu.dma_semaphore, #tpu.memory_space<semaphore_mem>>) src(%dma_wait3A_408 : memref<32x1024xf32, #tpu.memory_space<hbm>>) dst(%dma_wait3A_406 : memref<32x1024xf32, #tpu.memory_space<vmem>>)
    %add3A_409 = arith.constant 160 : i32
    %add3A_410 = arith.addi %mul3A_2, %add3A_409 : i32
    %dma_start3A_411 = arith.constant 2 : i32
    %dma_start3A_412 = arith.constant 2 : i32
    %dma_start3A_413 = arith.constant 0 : i32
    %dma_start3A_414 = arith.constant 0 : i32
    %dma_start3A_415 = tpu.memref_slice %arg5[%dma_start3A_411, %dma_start3A_413, %dma_start3A_414] : memref<3x32x1024xf32, #tpu.memory_space<vmem>> -> memref<1x32x1024xf32, #tpu.memory_space<vmem>>
    %dma_start3A_416 = tpu.memref_squeeze %dma_start3A_415 : memref<1x32x1024xf32, #tpu.memory_space<vmem>> -> memref<32x1024xf32, #tpu.memory_space<vmem>>
    %dma_start3A_417 = arith.constant 0 : i32
    %dma_start3A_418 = tpu.memref_slice %arg4[%add3A_410, %dma_start3A_417] : memref<16384x1024xf32, #tpu.memory_space<hbm>> -> memref<32x1024xf32, #tpu.memory_space<hbm>>
    %dma_start3A_419 = tpu.memref_slice %arg7[%dma_start3A_412] : memref<3x!tpu.dma_semaphore, #tpu.memory_space<semaphore_mem>> -> memref<1x!tpu.dma_semaphore, #tpu.memory_space<semaphore_mem>>
    %dma_start3A_420 = tpu.memref_squeeze %dma_start3A_419 : memref<1x!tpu.dma_semaphore, #tpu.memory_space<semaphore_mem>> -> memref<!tpu.dma_semaphore, #tpu.memory_space<semaphore_mem>>
    %dma_start3A_421 = arith.constant 0 : i32
    %dma_start3A_422 = tpu.memref_slice %arg4[%add3A_410, %dma_start3A_421] : memref<16384x1024xf32, #tpu.memory_space<hbm>> -> memref<32x1024xf32, #tpu.memory_space<hbm>>
    %dma_start3A_423 = arith.constant 0 : i32
    %dma_start3A_424 = arith.constant 0 : i32
    %dma_start3A_425 = tpu.memref_slice %arg5[%dma_start3A_411, %dma_start3A_423, %dma_start3A_424] : memref<3x32x1024xf32, #tpu.memory_space<vmem>> -> memref<1x32x1024xf32, #tpu.memory_space<vmem>>
    %dma_start3A_426 = tpu.memref_squeeze %dma_start3A_425 : memref<1x32x1024xf32, #tpu.memory_space<vmem>> -> memref<32x1024xf32, #tpu.memory_space<vmem>>
    tpu.enqueue_dma source(%dma_start3A_426 : memref<32x1024xf32, #tpu.memory_space<vmem>>) target(%dma_start3A_422 : memref<32x1024xf32, #tpu.memory_space<hbm>>) target_semaphore(%dma_start3A_420 : memref<!tpu.dma_semaphore, #tpu.memory_space<semaphore_mem>>)
    %add3A_427 = arith.constant 128 : i32
    %add3A_428 = arith.addi %mul3A_2, %add3A_427 : i32
    %dma_wait3A_429 = arith.constant 1 : i32
    %dma_wait3A_430 = arith.constant 1 : i32
    %dma_wait3A_431 = arith.constant 0 : i32
    %dma_wait3A_432 = arith.constant 0 : i32
    %dma_wait3A_433 = tpu.memref_slice %arg5[%dma_wait3A_429, %dma_wait3A_431, %dma_wait3A_432] : memref<3x32x1024xf32, #tpu.memory_space<vmem>> -> memref<1x32x1024xf32, #tpu.memory_space<vmem>>
    %dma_wait3A_434 = tpu.memref_squeeze %dma_wait3A_433 : memref<1x32x1024xf32, #tpu.memory_space<vmem>> -> memref<32x1024xf32, #tpu.memory_space<vmem>>
    %dma_wait3A_435 = arith.constant 0 : i32
    %dma_wait3A_436 = tpu.memref_slice %arg4[%add3A_428, %dma_wait3A_435] : memref<16384x1024xf32, #tpu.memory_space<hbm>> -> memref<32x1024xf32, #tpu.memory_space<hbm>>
    %dma_wait3A_437 = tpu.memref_slice %arg7[%dma_wait3A_430] : memref<3x!tpu.dma_semaphore, #tpu.memory_space<semaphore_mem>> -> memref<1x!tpu.dma_semaphore, #tpu.memory_space<semaphore_mem>>
    %dma_wait3A_438 = tpu.memref_squeeze %dma_wait3A_437 : memref<1x!tpu.dma_semaphore, #tpu.memory_space<semaphore_mem>> -> memref<!tpu.dma_semaphore, #tpu.memory_space<semaphore_mem>>
    %dma_wait3A_439 = arith.constant 0 : i32
    %dma_wait3A_440 = tpu.memref_slice %arg4[%add3A_428, %dma_wait3A_439] : memref<16384x1024xf32, #tpu.memory_space<hbm>> -> memref<32x1024xf32, #tpu.memory_space<hbm>>
    %dma_wait3A_441 = arith.constant 0 : i32
    %dma_wait3A_442 = arith.constant 0 : i32
    %dma_wait3A_443 = tpu.memref_slice %arg5[%dma_wait3A_429, %dma_wait3A_441, %dma_wait3A_442] : memref<3x32x1024xf32, #tpu.memory_space<vmem>> -> memref<1x32x1024xf32, #tpu.memory_space<vmem>>
    %dma_wait3A_444 = tpu.memref_squeeze %dma_wait3A_443 : memref<1x32x1024xf32, #tpu.memory_space<vmem>> -> memref<32x1024xf32, #tpu.memory_space<vmem>>
    tpu.wait_dma2 semaphore(%dma_wait3A_438 : memref<!tpu.dma_semaphore, #tpu.memory_space<semaphore_mem>>) src(%dma_wait3A_444 : memref<32x1024xf32, #tpu.memory_space<vmem>>) dst(%dma_wait3A_440 : memref<32x1024xf32, #tpu.memory_space<hbm>>)
    %add3A_445 = arith.constant 224 : i32
    %add3A_446 = arith.addi %mul3A_2, %add3A_445 : i32
    %dma_start3A_447 = arith.constant 1 : i32
    %dma_start3A_448 = arith.constant 1 : i32
    %dma_start3A_449 = arith.constant 0 : i32
    %dma_start3A_450 = arith.constant 0 : i32
    %dma_start3A_451 = tpu.memref_slice %arg5[%dma_start3A_447, %dma_start3A_449, %dma_start3A_450] : memref<3x32x1024xf32, #tpu.memory_space<vmem>> -> memref<1x32x1024xf32, #tpu.memory_space<vmem>>
    %dma_start3A_452 = tpu.memref_squeeze %dma_start3A_451 : memref<1x32x1024xf32, #tpu.memory_space<vmem>> -> memref<32x1024xf32, #tpu.memory_space<vmem>>
    %dma_start3A_453 = arith.constant 0 : i32
    %dma_start3A_454 = tpu.memref_slice %arg2[%add3A_446, %dma_start3A_453] : memref<16384x1024xf32, #tpu.memory_space<hbm>> -> memref<32x1024xf32, #tpu.memory_space<hbm>>
    %dma_start3A_455 = tpu.memref_slice %arg6[%dma_start3A_448] : memref<3x!tpu.dma_semaphore, #tpu.memory_space<semaphore_mem>> -> memref<1x!tpu.dma_semaphore, #tpu.memory_space<semaphore_mem>>
    %dma_start3A_456 = tpu.memref_squeeze %dma_start3A_455 : memref<1x!tpu.dma_semaphore, #tpu.memory_space<semaphore_mem>> -> memref<!tpu.dma_semaphore, #tpu.memory_space<semaphore_mem>>
    %dma_start3A_457 = arith.constant 0 : i32
    %dma_start3A_458 = arith.constant 0 : i32
    %dma_start3A_459 = tpu.memref_slice %arg5[%dma_start3A_447, %dma_start3A_457, %dma_start3A_458] : memref<3x32x1024xf32, #tpu.memory_space<vmem>> -> memref<1x32x1024xf32, #tpu.memory_space<vmem>>
    %dma_start3A_460 = tpu.memref_squeeze %dma_start3A_459 : memref<1x32x1024xf32, #tpu.memory_space<vmem>> -> memref<32x1024xf32, #tpu.memory_space<vmem>>
    %dma_start3A_461 = arith.constant 0 : i32
    %dma_start3A_462 = tpu.memref_slice %arg2[%add3A_446, %dma_start3A_461] : memref<16384x1024xf32, #tpu.memory_space<hbm>> -> memref<32x1024xf32, #tpu.memory_space<hbm>>
    tpu.enqueue_dma source(%dma_start3A_462 : memref<32x1024xf32, #tpu.memory_space<hbm>>) target(%dma_start3A_460 : memref<32x1024xf32, #tpu.memory_space<vmem>>) target_semaphore(%dma_start3A_456 : memref<!tpu.dma_semaphore, #tpu.memory_space<semaphore_mem>>)
    %add3A_463 = arith.constant 192 : i32
    %add3A_464 = arith.addi %mul3A_2, %add3A_463 : i32
    %dma_wait3A_465 = arith.constant 0 : i32
    %dma_wait3A_466 = arith.constant 0 : i32
    %dma_wait3A_467 = arith.constant 0 : i32
    %dma_wait3A_468 = arith.constant 0 : i32
    %dma_wait3A_469 = tpu.memref_slice %arg5[%dma_wait3A_465, %dma_wait3A_467, %dma_wait3A_468] : memref<3x32x1024xf32, #tpu.memory_space<vmem>> -> memref<1x32x1024xf32, #tpu.memory_space<vmem>>
    %dma_wait3A_470 = tpu.memref_squeeze %dma_wait3A_469 : memref<1x32x1024xf32, #tpu.memory_space<vmem>> -> memref<32x1024xf32, #tpu.memory_space<vmem>>
    %dma_wait3A_471 = arith.constant 0 : i32
    %dma_wait3A_472 = tpu.memref_slice %arg2[%add3A_464, %dma_wait3A_471] : memref<16384x1024xf32, #tpu.memory_space<hbm>> -> memref<32x1024xf32, #tpu.memory_space<hbm>>
    %dma_wait3A_473 = tpu.memref_slice %arg6[%dma_wait3A_466] : memref<3x!tpu.dma_semaphore, #tpu.memory_space<semaphore_mem>> -> memref<1x!tpu.dma_semaphore, #tpu.memory_space<semaphore_mem>>
    %dma_wait3A_474 = tpu.memref_squeeze %dma_wait3A_473 : memref<1x!tpu.dma_semaphore, #tpu.memory_space<semaphore_mem>> -> memref<!tpu.dma_semaphore, #tpu.memory_space<semaphore_mem>>
    %dma_wait3A_475 = arith.constant 0 : i32
    %dma_wait3A_476 = arith.constant 0 : i32
    %dma_wait3A_477 = tpu.memref_slice %arg5[%dma_wait3A_465, %dma_wait3A_475, %dma_wait3A_476] : memref<3x32x1024xf32, #tpu.memory_space<vmem>> -> memref<1x32x1024xf32, #tpu.memory_space<vmem>>
    %dma_wait3A_478 = tpu.memref_squeeze %dma_wait3A_477 : memref<1x32x1024xf32, #tpu.memory_space<vmem>> -> memref<32x1024xf32, #tpu.memory_space<vmem>>
    %dma_wait3A_479 = arith.constant 0 : i32
    %dma_wait3A_480 = tpu.memref_slice %arg2[%add3A_464, %dma_wait3A_479] : memref<16384x1024xf32, #tpu.memory_space<hbm>> -> memref<32x1024xf32, #tpu.memory_space<hbm>>
    tpu.wait_dma2 semaphore(%dma_wait3A_474 : memref<!tpu.dma_semaphore, #tpu.memory_space<semaphore_mem>>) src(%dma_wait3A_480 : memref<32x1024xf32, #tpu.memory_space<hbm>>) dst(%dma_wait3A_478 : memref<32x1024xf32, #tpu.memory_space<vmem>>)
    %add3A_481 = arith.constant 192 : i32
    %add3A_482 = arith.addi %mul3A_2, %add3A_481 : i32
    %dma_start3A_483 = arith.constant 0 : i32
    %dma_start3A_484 = arith.constant 0 : i32
    %dma_start3A_485 = arith.constant 0 : i32
    %dma_start3A_486 = arith.constant 0 : i32
    %dma_start3A_487 = tpu.memref_slice %arg5[%dma_start3A_483, %dma_start3A_485, %dma_start3A_486] : memref<3x32x1024xf32, #tpu.memory_space<vmem>> -> memref<1x32x1024xf32, #tpu.memory_space<vmem>>
    %dma_start3A_488 = tpu.memref_squeeze %dma_start3A_487 : memref<1x32x1024xf32, #tpu.memory_space<vmem>> -> memref<32x1024xf32, #tpu.memory_space<vmem>>
    %dma_start3A_489 = arith.constant 0 : i32
    %dma_start3A_490 = tpu.memref_slice %arg4[%add3A_482, %dma_start3A_489] : memref<16384x1024xf32, #tpu.memory_space<hbm>> -> memref<32x1024xf32, #tpu.memory_space<hbm>>
    %dma_start3A_491 = tpu.memref_slice %arg7[%dma_start3A_484] : memref<3x!tpu.dma_semaphore, #tpu.memory_space<semaphore_mem>> -> memref<1x!tpu.dma_semaphore, #tpu.memory_space<semaphore_mem>>
    %dma_start3A_492 = tpu.memref_squeeze %dma_start3A_491 : memref<1x!tpu.dma_semaphore, #tpu.memory_space<semaphore_mem>> -> memref<!tpu.dma_semaphore, #tpu.memory_space<semaphore_mem>>
    %dma_start3A_493 = arith.constant 0 : i32
    %dma_start3A_494 = tpu.memref_slice %arg4[%add3A_482, %dma_start3A_493] : memref<16384x1024xf32, #tpu.memory_space<hbm>> -> memref<32x1024xf32, #tpu.memory_space<hbm>>
    %dma_start3A_495 = arith.constant 0 : i32
    %dma_start3A_496 = arith.constant 0 : i32
    %dma_start3A_497 = tpu.memref_slice %arg5[%dma_start3A_483, %dma_start3A_495, %dma_start3A_496] : memref<3x32x1024xf32, #tpu.memory_space<vmem>> -> memref<1x32x1024xf32, #tpu.memory_space<vmem>>
    %dma_start3A_498 = tpu.memref_squeeze %dma_start3A_497 : memref<1x32x1024xf32, #tpu.memory_space<vmem>> -> memref<32x1024xf32, #tpu.memory_space<vmem>>
    tpu.enqueue_dma source(%dma_start3A_498 : memref<32x1024xf32, #tpu.memory_space<vmem>>) target(%dma_start3A_494 : memref<32x1024xf32, #tpu.memory_space<hbm>>) target_semaphore(%dma_start3A_492 : memref<!tpu.dma_semaphore, #tpu.memory_space<semaphore_mem>>)
    %add3A_499 = arith.constant 160 : i32
    %add3A_500 = arith.addi %mul3A_2, %add3A_499 : i32
    %dma_wait3A_501 = arith.constant 2 : i32
    %dma_wait3A_502 = arith.constant 2 : i32
    %dma_wait3A_503 = arith.constant 0 : i32
    %dma_wait3A_504 = arith.constant 0 : i32
    %dma_wait3A_505 = tpu.memref_slice %arg5[%dma_wait3A_501, %dma_wait3A_503, %dma_wait3A_504] : memref<3x32x1024xf32, #tpu.memory_space<vmem>> -> memref<1x32x1024xf32, #tpu.memory_space<vmem>>
    %dma_wait3A_506 = tpu.memref_squeeze %dma_wait3A_505 : memref<1x32x1024xf32, #tpu.memory_space<vmem>> -> memref<32x1024xf32, #tpu.memory_space<vmem>>
    %dma_wait3A_507 = arith.constant 0 : i32
    %dma_wait3A_508 = tpu.memref_slice %arg4[%add3A_500, %dma_wait3A_507] : memref<16384x1024xf32, #tpu.memory_space<hbm>> -> memref<32x1024xf32, #tpu.memory_space<hbm>>
    %dma_wait3A_509 = tpu.memref_slice %arg7[%dma_wait3A_502] : memref<3x!tpu.dma_semaphore, #tpu.memory_space<semaphore_mem>> -> memref<1x!tpu.dma_semaphore, #tpu.memory_space<semaphore_mem>>
    %dma_wait3A_510 = tpu.memref_squeeze %dma_wait3A_509 : memref<1x!tpu.dma_semaphore, #tpu.memory_space<semaphore_mem>> -> memref<!tpu.dma_semaphore, #tpu.memory_space<semaphore_mem>>
    %dma_wait3A_511 = arith.constant 0 : i32
    %dma_wait3A_512 = tpu.memref_slice %arg4[%add3A_500, %dma_wait3A_511] : memref<16384x1024xf32, #tpu.memory_space<hbm>> -> memref<32x1024xf32, #tpu.memory_space<hbm>>
    %dma_wait3A_513 = arith.constant 0 : i32
    %dma_wait3A_514 = arith.constant 0 : i32
    %dma_wait3A_515 = tpu.memref_slice %arg5[%dma_wait3A_501, %dma_wait3A_513, %dma_wait3A_514] : memref<3x32x1024xf32, #tpu.memory_space<vmem>> -> memref<1x32x1024xf32, #tpu.memory_space<vmem>>
    %dma_wait3A_516 = tpu.memref_squeeze %dma_wait3A_515 : memref<1x32x1024xf32, #tpu.memory_space<vmem>> -> memref<32x1024xf32, #tpu.memory_space<vmem>>
    tpu.wait_dma2 semaphore(%dma_wait3A_510 : memref<!tpu.dma_semaphore, #tpu.memory_space<semaphore_mem>>) src(%dma_wait3A_516 : memref<32x1024xf32, #tpu.memory_space<vmem>>) dst(%dma_wait3A_512 : memref<32x1024xf32, #tpu.memory_space<hbm>>)
    %add3A_517 = arith.constant 256 : i32
    %add3A_518 = arith.addi %mul3A_2, %add3A_517 : i32
    %dma_start3A_519 = arith.constant 2 : i32
    %dma_start3A_520 = arith.constant 2 : i32
    %dma_start3A_521 = arith.constant 0 : i32
    %dma_start3A_522 = arith.constant 0 : i32
    %dma_start3A_523 = tpu.memref_slice %arg5[%dma_start3A_519, %dma_start3A_521, %dma_start3A_522] : memref<3x32x1024xf32, #tpu.memory_space<vmem>> -> memref<1x32x1024xf32, #tpu.memory_space<vmem>>
    %dma_start3A_524 = tpu.memref_squeeze %dma_start3A_523 : memref<1x32x1024xf32, #tpu.memory_space<vmem>> -> memref<32x1024xf32, #tpu.memory_space<vmem>>
    %dma_start3A_525 = arith.constant 0 : i32
    %dma_start3A_526 = tpu.memref_slice %arg2[%add3A_518, %dma_start3A_525] : memref<16384x1024xf32, #tpu.memory_space<hbm>> -> memref<32x1024xf32, #tpu.memory_space<hbm>>
    %dma_start3A_527 = tpu.memref_slice %arg6[%dma_start3A_520] : memref<3x!tpu.dma_semaphore, #tpu.memory_space<semaphore_mem>> -> memref<1x!tpu.dma_semaphore, #tpu.memory_space<semaphore_mem>>
    %dma_start3A_528 = tpu.memref_squeeze %dma_start3A_527 : memref<1x!tpu.dma_semaphore, #tpu.memory_space<semaphore_mem>> -> memref<!tpu.dma_semaphore, #tpu.memory_space<semaphore_mem>>
    %dma_start3A_529 = arith.constant 0 : i32
    %dma_start3A_530 = arith.constant 0 : i32
    %dma_start3A_531 = tpu.memref_slice %arg5[%dma_start3A_519, %dma_start3A_529, %dma_start3A_530] : memref<3x32x1024xf32, #tpu.memory_space<vmem>> -> memref<1x32x1024xf32, #tpu.memory_space<vmem>>
    %dma_start3A_532 = tpu.memref_squeeze %dma_start3A_531 : memref<1x32x1024xf32, #tpu.memory_space<vmem>> -> memref<32x1024xf32, #tpu.memory_space<vmem>>
    %dma_start3A_533 = arith.constant 0 : i32
    %dma_start3A_534 = tpu.memref_slice %arg2[%add3A_518, %dma_start3A_533] : memref<16384x1024xf32, #tpu.memory_space<hbm>> -> memref<32x1024xf32, #tpu.memory_space<hbm>>
    tpu.enqueue_dma source(%dma_start3A_534 : memref<32x1024xf32, #tpu.memory_space<hbm>>) target(%dma_start3A_532 : memref<32x1024xf32, #tpu.memory_space<vmem>>) target_semaphore(%dma_start3A_528 : memref<!tpu.dma_semaphore, #tpu.memory_space<semaphore_mem>>)
    %add3A_535 = arith.constant 224 : i32
    %add3A_536 = arith.addi %mul3A_2, %add3A_535 : i32
    %dma_wait3A_537 = arith.constant 1 : i32
    %dma_wait3A_538 = arith.constant 1 : i32
    %dma_wait3A_539 = arith.constant 0 : i32
    %dma_wait3A_540 = arith.constant 0 : i32
    %dma_wait3A_541 = tpu.memref_slice %arg5[%dma_wait3A_537, %dma_wait3A_539, %dma_wait3A_540] : memref<3x32x1024xf32, #tpu.memory_space<vmem>> -> memref<1x32x1024xf32, #tpu.memory_space<vmem>>
    %dma_wait3A_542 = tpu.memref_squeeze %dma_wait3A_541 : memref<1x32x1024xf32, #tpu.memory_space<vmem>> -> memref<32x1024xf32, #tpu.memory_space<vmem>>
    %dma_wait3A_543 = arith.constant 0 : i32
    %dma_wait3A_544 = tpu.memref_slice %arg2[%add3A_536, %dma_wait3A_543] : memref<16384x1024xf32, #tpu.memory_space<hbm>> -> memref<32x1024xf32, #tpu.memory_space<hbm>>
    %dma_wait3A_545 = tpu.memref_slice %arg6[%dma_wait3A_538] : memref<3x!tpu.dma_semaphore, #tpu.memory_space<semaphore_mem>> -> memref<1x!tpu.dma_semaphore, #tpu.memory_space<semaphore_mem>>
    %dma_wait3A_546 = tpu.memref_squeeze %dma_wait3A_545 : memref<1x!tpu.dma_semaphore, #tpu.memory_space<semaphore_mem>> -> memref<!tpu.dma_semaphore, #tpu.memory_space<semaphore_mem>>
    %dma_wait3A_547 = arith.constant 0 : i32
    %dma_wait3A_548 = arith.constant 0 : i32
    %dma_wait3A_549 = tpu.memref_slice %arg5[%dma_wait3A_537, %dma_wait3A_547, %dma_wait3A_548] : memref<3x32x1024xf32, #tpu.memory_space<vmem>> -> memref<1x32x1024xf32, #tpu.memory_space<vmem>>
    %dma_wait3A_550 = tpu.memref_squeeze %dma_wait3A_549 : memref<1x32x1024xf32, #tpu.memory_space<vmem>> -> memref<32x1024xf32, #tpu.memory_space<vmem>>
    %dma_wait3A_551 = arith.constant 0 : i32
    %dma_wait3A_552 = tpu.memref_slice %arg2[%add3A_536, %dma_wait3A_551] : memref<16384x1024xf32, #tpu.memory_space<hbm>> -> memref<32x1024xf32, #tpu.memory_space<hbm>>
    tpu.wait_dma2 semaphore(%dma_wait3A_546 : memref<!tpu.dma_semaphore, #tpu.memory_space<semaphore_mem>>) src(%dma_wait3A_552 : memref<32x1024xf32, #tpu.memory_space<hbm>>) dst(%dma_wait3A_550 : memref<32x1024xf32, #tpu.memory_space<vmem>>)
    %add3A_553 = arith.constant 224 : i32
    %add3A_554 = arith.addi %mul3A_2, %add3A_553 : i32
    %dma_start3A_555 = arith.constant 1 : i32
    %dma_start3A_556 = arith.constant 1 : i32
    %dma_start3A_557 = arith.constant 0 : i32
    %dma_start3A_558 = arith.constant 0 : i32
    %dma_start3A_559 = tpu.memref_slice %arg5[%dma_start3A_555, %dma_start3A_557, %dma_start3A_558] : memref<3x32x1024xf32, #tpu.memory_space<vmem>> -> memref<1x32x1024xf32, #tpu.memory_space<vmem>>
    %dma_start3A_560 = tpu.memref_squeeze %dma_start3A_559 : memref<1x32x1024xf32, #tpu.memory_space<vmem>> -> memref<32x1024xf32, #tpu.memory_space<vmem>>
    %dma_start3A_561 = arith.constant 0 : i32
    %dma_start3A_562 = tpu.memref_slice %arg4[%add3A_554, %dma_start3A_561] : memref<16384x1024xf32, #tpu.memory_space<hbm>> -> memref<32x1024xf32, #tpu.memory_space<hbm>>
    %dma_start3A_563 = tpu.memref_slice %arg7[%dma_start3A_556] : memref<3x!tpu.dma_semaphore, #tpu.memory_space<semaphore_mem>> -> memref<1x!tpu.dma_semaphore, #tpu.memory_space<semaphore_mem>>
    %dma_start3A_564 = tpu.memref_squeeze %dma_start3A_563 : memref<1x!tpu.dma_semaphore, #tpu.memory_space<semaphore_mem>> -> memref<!tpu.dma_semaphore, #tpu.memory_space<semaphore_mem>>
    %dma_start3A_565 = arith.constant 0 : i32
    %dma_start3A_566 = tpu.memref_slice %arg4[%add3A_554, %dma_start3A_565] : memref<16384x1024xf32, #tpu.memory_space<hbm>> -> memref<32x1024xf32, #tpu.memory_space<hbm>>
    %dma_start3A_567 = arith.constant 0 : i32
    %dma_start3A_568 = arith.constant 0 : i32
    %dma_start3A_569 = tpu.memref_slice %arg5[%dma_start3A_555, %dma_start3A_567, %dma_start3A_568] : memref<3x32x1024xf32, #tpu.memory_space<vmem>> -> memref<1x32x1024xf32, #tpu.memory_space<vmem>>
    %dma_start3A_570 = tpu.memref_squeeze %dma_start3A_569 : memref<1x32x1024xf32, #tpu.memory_space<vmem>> -> memref<32x1024xf32, #tpu.memory_space<vmem>>
    tpu.enqueue_dma source(%dma_start3A_570 : memref<32x1024xf32, #tpu.memory_space<vmem>>) target(%dma_start3A_566 : memref<32x1024xf32, #tpu.memory_space<hbm>>) target_semaphore(%dma_start3A_564 : memref<!tpu.dma_semaphore, #tpu.memory_space<semaphore_mem>>)
    %add3A_571 = arith.constant 192 : i32
    %add3A_572 = arith.addi %mul3A_2, %add3A_571 : i32
    %dma_wait3A_573 = arith.constant 0 : i32
    %dma_wait3A_574 = arith.constant 0 : i32
    %dma_wait3A_575 = arith.constant 0 : i32
    %dma_wait3A_576 = arith.constant 0 : i32
    %dma_wait3A_577 = tpu.memref_slice %arg5[%dma_wait3A_573, %dma_wait3A_575, %dma_wait3A_576] : memref<3x32x1024xf32, #tpu.memory_space<vmem>> -> memref<1x32x1024xf32, #tpu.memory_space<vmem>>
    %dma_wait3A_578 = tpu.memref_squeeze %dma_wait3A_577 : memref<1x32x1024xf32, #tpu.memory_space<vmem>> -> memref<32x1024xf32, #tpu.memory_space<vmem>>
    %dma_wait3A_579 = arith.constant 0 : i32
    %dma_wait3A_580 = tpu.memref_slice %arg4[%add3A_572, %dma_wait3A_579] : memref<16384x1024xf32, #tpu.memory_space<hbm>> -> memref<32x1024xf32, #tpu.memory_space<hbm>>
    %dma_wait3A_581 = tpu.memref_slice %arg7[%dma_wait3A_574] : memref<3x!tpu.dma_semaphore, #tpu.memory_space<semaphore_mem>> -> memref<1x!tpu.dma_semaphore, #tpu.memory_space<semaphore_mem>>
    %dma_wait3A_582 = tpu.memref_squeeze %dma_wait3A_581 : memref<1x!tpu.dma_semaphore, #tpu.memory_space<semaphore_mem>> -> memref<!tpu.dma_semaphore, #tpu.memory_space<semaphore_mem>>
    %dma_wait3A_583 = arith.constant 0 : i32
    %dma_wait3A_584 = tpu.memref_slice %arg4[%add3A_572, %dma_wait3A_583] : memref<16384x1024xf32, #tpu.memory_space<hbm>> -> memref<32x1024xf32, #tpu.memory_space<hbm>>
    %dma_wait3A_585 = arith.constant 0 : i32
    %dma_wait3A_586 = arith.constant 0 : i32
    %dma_wait3A_587 = tpu.memref_slice %arg5[%dma_wait3A_573, %dma_wait3A_585, %dma_wait3A_586] : memref<3x32x1024xf32, #tpu.memory_space<vmem>> -> memref<1x32x1024xf32, #tpu.memory_space<vmem>>
    %dma_wait3A_588 = tpu.memref_squeeze %dma_wait3A_587 : memref<1x32x1024xf32, #tpu.memory_space<vmem>> -> memref<32x1024xf32, #tpu.memory_space<vmem>>
    tpu.wait_dma2 semaphore(%dma_wait3A_582 : memref<!tpu.dma_semaphore, #tpu.memory_space<semaphore_mem>>) src(%dma_wait3A_588 : memref<32x1024xf32, #tpu.memory_space<vmem>>) dst(%dma_wait3A_584 : memref<32x1024xf32, #tpu.memory_space<hbm>>)
    %add3A_589 = arith.constant 288 : i32
    %add3A_590 = arith.addi %mul3A_2, %add3A_589 : i32
    %dma_start3A_591 = arith.constant 0 : i32
    %dma_start3A_592 = arith.constant 0 : i32
    %dma_start3A_593 = arith.constant 0 : i32
    %dma_start3A_594 = arith.constant 0 : i32
    %dma_start3A_595 = tpu.memref_slice %arg5[%dma_start3A_591, %dma_start3A_593, %dma_start3A_594] : memref<3x32x1024xf32, #tpu.memory_space<vmem>> -> memref<1x32x1024xf32, #tpu.memory_space<vmem>>
    %dma_start3A_596 = tpu.memref_squeeze %dma_start3A_595 : memref<1x32x1024xf32, #tpu.memory_space<vmem>> -> memref<32x1024xf32, #tpu.memory_space<vmem>>
    %dma_start3A_597 = arith.constant 0 : i32
    %dma_start3A_598 = tpu.memref_slice %arg2[%add3A_590, %dma_start3A_597] : memref<16384x1024xf32, #tpu.memory_space<hbm>> -> memref<32x1024xf32, #tpu.memory_space<hbm>>
    %dma_start3A_599 = tpu.memref_slice %arg6[%dma_start3A_592] : memref<3x!tpu.dma_semaphore, #tpu.memory_space<semaphore_mem>> -> memref<1x!tpu.dma_semaphore, #tpu.memory_space<semaphore_mem>>
    %dma_start3A_600 = tpu.memref_squeeze %dma_start3A_599 : memref<1x!tpu.dma_semaphore, #tpu.memory_space<semaphore_mem>> -> memref<!tpu.dma_semaphore, #tpu.memory_space<semaphore_mem>>
    %dma_start3A_601 = arith.constant 0 : i32
    %dma_start3A_602 = arith.constant 0 : i32
    %dma_start3A_603 = tpu.memref_slice %arg5[%dma_start3A_591, %dma_start3A_601, %dma_start3A_602] : memref<3x32x1024xf32, #tpu.memory_space<vmem>> -> memref<1x32x1024xf32, #tpu.memory_space<vmem>>
    %dma_start3A_604 = tpu.memref_squeeze %dma_start3A_603 : memref<1x32x1024xf32, #tpu.memory_space<vmem>> -> memref<32x1024xf32, #tpu.memory_space<vmem>>
    %dma_start3A_605 = arith.constant 0 : i32
    %dma_start3A_606 = tpu.memref_slice %arg2[%add3A_590, %dma_start3A_605] : memref<16384x1024xf32, #tpu.memory_space<hbm>> -> memref<32x1024xf32, #tpu.memory_space<hbm>>
    tpu.enqueue_dma source(%dma_start3A_606 : memref<32x1024xf32, #tpu.memory_space<hbm>>) target(%dma_start3A_604 : memref<32x1024xf32, #tpu.memory_space<vmem>>) target_semaphore(%dma_start3A_600 : memref<!tpu.dma_semaphore, #tpu.memory_space<semaphore_mem>>)
    %add3A_607 = arith.constant 256 : i32
    %add3A_608 = arith.addi %mul3A_2, %add3A_607 : i32
    %dma_wait3A_609 = arith.constant 2 : i32
    %dma_wait3A_610 = arith.constant 2 : i32
    %dma_wait3A_611 = arith.constant 0 : i32
    %dma_wait3A_612 = arith.constant 0 : i32
    %dma_wait3A_613 = tpu.memref_slice %arg5[%dma_wait3A_609, %dma_wait3A_611, %dma_wait3A_612] : memref<3x32x1024xf32, #tpu.memory_space<vmem>> -> memref<1x32x1024xf32, #tpu.memory_space<vmem>>
    %dma_wait3A_614 = tpu.memref_squeeze %dma_wait3A_613 : memref<1x32x1024xf32, #tpu.memory_space<vmem>> -> memref<32x1024xf32, #tpu.memory_space<vmem>>
    %dma_wait3A_615 = arith.constant 0 : i32
    %dma_wait3A_616 = tpu.memref_slice %arg2[%add3A_608, %dma_wait3A_615] : memref<16384x1024xf32, #tpu.memory_space<hbm>> -> memref<32x1024xf32, #tpu.memory_space<hbm>>
    %dma_wait3A_617 = tpu.memref_slice %arg6[%dma_wait3A_610] : memref<3x!tpu.dma_semaphore, #tpu.memory_space<semaphore_mem>> -> memref<1x!tpu.dma_semaphore, #tpu.memory_space<semaphore_mem>>
    %dma_wait3A_618 = tpu.memref_squeeze %dma_wait3A_617 : memref<1x!tpu.dma_semaphore, #tpu.memory_space<semaphore_mem>> -> memref<!tpu.dma_semaphore, #tpu.memory_space<semaphore_mem>>
    %dma_wait3A_619 = arith.constant 0 : i32
    %dma_wait3A_620 = arith.constant 0 : i32
    %dma_wait3A_621 = tpu.memref_slice %arg5[%dma_wait3A_609, %dma_wait3A_619, %dma_wait3A_620] : memref<3x32x1024xf32, #tpu.memory_space<vmem>> -> memref<1x32x1024xf32, #tpu.memory_space<vmem>>
    %dma_wait3A_622 = tpu.memref_squeeze %dma_wait3A_621 : memref<1x32x1024xf32, #tpu.memory_space<vmem>> -> memref<32x1024xf32, #tpu.memory_space<vmem>>
    %dma_wait3A_623 = arith.constant 0 : i32
    %dma_wait3A_624 = tpu.memref_slice %arg2[%add3A_608, %dma_wait3A_623] : memref<16384x1024xf32, #tpu.memory_space<hbm>> -> memref<32x1024xf32, #tpu.memory_space<hbm>>
    tpu.wait_dma2 semaphore(%dma_wait3A_618 : memref<!tpu.dma_semaphore, #tpu.memory_space<semaphore_mem>>) src(%dma_wait3A_624 : memref<32x1024xf32, #tpu.memory_space<hbm>>) dst(%dma_wait3A_622 : memref<32x1024xf32, #tpu.memory_space<vmem>>)
    %add3A_625 = arith.constant 256 : i32
    %add3A_626 = arith.addi %mul3A_2, %add3A_625 : i32
    %dma_start3A_627 = arith.constant 2 : i32
    %dma_start3A_628 = arith.constant 2 : i32
    %dma_start3A_629 = arith.constant 0 : i32
    %dma_start3A_630 = arith.constant 0 : i32
    %dma_start3A_631 = tpu.memref_slice %arg5[%dma_start3A_627, %dma_start3A_629, %dma_start3A_630] : memref<3x32x1024xf32, #tpu.memory_space<vmem>> -> memref<1x32x1024xf32, #tpu.memory_space<vmem>>
    %dma_start3A_632 = tpu.memref_squeeze %dma_start3A_631 : memref<1x32x1024xf32, #tpu.memory_space<vmem>> -> memref<32x1024xf32, #tpu.memory_space<vmem>>
    %dma_start3A_633 = arith.constant 0 : i32
    %dma_start3A_634 = tpu.memref_slice %arg4[%add3A_626, %dma_start3A_633] : memref<16384x1024xf32, #tpu.memory_space<hbm>> -> memref<32x1024xf32, #tpu.memory_space<hbm>>
    %dma_start3A_635 = tpu.memref_slice %arg7[%dma_start3A_628] : memref<3x!tpu.dma_semaphore, #tpu.memory_space<semaphore_mem>> -> memref<1x!tpu.dma_semaphore, #tpu.memory_space<semaphore_mem>>
    %dma_start3A_636 = tpu.memref_squeeze %dma_start3A_635 : memref<1x!tpu.dma_semaphore, #tpu.memory_space<semaphore_mem>> -> memref<!tpu.dma_semaphore, #tpu.memory_space<semaphore_mem>>
    %dma_start3A_637 = arith.constant 0 : i32
    %dma_start3A_638 = tpu.memref_slice %arg4[%add3A_626, %dma_start3A_637] : memref<16384x1024xf32, #tpu.memory_space<hbm>> -> memref<32x1024xf32, #tpu.memory_space<hbm>>
    %dma_start3A_639 = arith.constant 0 : i32
    %dma_start3A_640 = arith.constant 0 : i32
    %dma_start3A_641 = tpu.memref_slice %arg5[%dma_start3A_627, %dma_start3A_639, %dma_start3A_640] : memref<3x32x1024xf32, #tpu.memory_space<vmem>> -> memref<1x32x1024xf32, #tpu.memory_space<vmem>>
    %dma_start3A_642 = tpu.memref_squeeze %dma_start3A_641 : memref<1x32x1024xf32, #tpu.memory_space<vmem>> -> memref<32x1024xf32, #tpu.memory_space<vmem>>
    tpu.enqueue_dma source(%dma_start3A_642 : memref<32x1024xf32, #tpu.memory_space<vmem>>) target(%dma_start3A_638 : memref<32x1024xf32, #tpu.memory_space<hbm>>) target_semaphore(%dma_start3A_636 : memref<!tpu.dma_semaphore, #tpu.memory_space<semaphore_mem>>)
    %add3A_643 = arith.constant 224 : i32
    %add3A_644 = arith.addi %mul3A_2, %add3A_643 : i32
    %dma_wait3A_645 = arith.constant 1 : i32
    %dma_wait3A_646 = arith.constant 1 : i32
    %dma_wait3A_647 = arith.constant 0 : i32
    %dma_wait3A_648 = arith.constant 0 : i32
    %dma_wait3A_649 = tpu.memref_slice %arg5[%dma_wait3A_645, %dma_wait3A_647, %dma_wait3A_648] : memref<3x32x1024xf32, #tpu.memory_space<vmem>> -> memref<1x32x1024xf32, #tpu.memory_space<vmem>>
    %dma_wait3A_650 = tpu.memref_squeeze %dma_wait3A_649 : memref<1x32x1024xf32, #tpu.memory_space<vmem>> -> memref<32x1024xf32, #tpu.memory_space<vmem>>
    %dma_wait3A_651 = arith.constant 0 : i32
    %dma_wait3A_652 = tpu.memref_slice %arg4[%add3A_644, %dma_wait3A_651] : memref<16384x1024xf32, #tpu.memory_space<hbm>> -> memref<32x1024xf32, #tpu.memory_space<hbm>>
    %dma_wait3A_653 = tpu.memref_slice %arg7[%dma_wait3A_646] : memref<3x!tpu.dma_semaphore, #tpu.memory_space<semaphore_mem>> -> memref<1x!tpu.dma_semaphore, #tpu.memory_space<semaphore_mem>>
    %dma_wait3A_654 = tpu.memref_squeeze %dma_wait3A_653 : memref<1x!tpu.dma_semaphore, #tpu.memory_space<semaphore_mem>> -> memref<!tpu.dma_semaphore, #tpu.memory_space<semaphore_mem>>
    %dma_wait3A_655 = arith.constant 0 : i32
    %dma_wait3A_656 = tpu.memref_slice %arg4[%add3A_644, %dma_wait3A_655] : memref<16384x1024xf32, #tpu.memory_space<hbm>> -> memref<32x1024xf32, #tpu.memory_space<hbm>>
    %dma_wait3A_657 = arith.constant 0 : i32
    %dma_wait3A_658 = arith.constant 0 : i32
    %dma_wait3A_659 = tpu.memref_slice %arg5[%dma_wait3A_645, %dma_wait3A_657, %dma_wait3A_658] : memref<3x32x1024xf32, #tpu.memory_space<vmem>> -> memref<1x32x1024xf32, #tpu.memory_space<vmem>>
    %dma_wait3A_660 = tpu.memref_squeeze %dma_wait3A_659 : memref<1x32x1024xf32, #tpu.memory_space<vmem>> -> memref<32x1024xf32, #tpu.memory_space<vmem>>
    tpu.wait_dma2 semaphore(%dma_wait3A_654 : memref<!tpu.dma_semaphore, #tpu.memory_space<semaphore_mem>>) src(%dma_wait3A_660 : memref<32x1024xf32, #tpu.memory_space<vmem>>) dst(%dma_wait3A_656 : memref<32x1024xf32, #tpu.memory_space<hbm>>)
    %add3A_661 = arith.constant 320 : i32
    %add3A_662 = arith.addi %mul3A_2, %add3A_661 : i32
    %dma_start3A_663 = arith.constant 1 : i32
    %dma_start3A_664 = arith.constant 1 : i32
    %dma_start3A_665 = arith.constant 0 : i32
    %dma_start3A_666 = arith.constant 0 : i32
    %dma_start3A_667 = tpu.memref_slice %arg5[%dma_start3A_663, %dma_start3A_665, %dma_start3A_666] : memref<3x32x1024xf32, #tpu.memory_space<vmem>> -> memref<1x32x1024xf32, #tpu.memory_space<vmem>>
    %dma_start3A_668 = tpu.memref_squeeze %dma_start3A_667 : memref<1x32x1024xf32, #tpu.memory_space<vmem>> -> memref<32x1024xf32, #tpu.memory_space<vmem>>
    %dma_start3A_669 = arith.constant 0 : i32
    %dma_start3A_670 = tpu.memref_slice %arg2[%add3A_662, %dma_start3A_669] : memref<16384x1024xf32, #tpu.memory_space<hbm>> -> memref<32x1024xf32, #tpu.memory_space<hbm>>
    %dma_start3A_671 = tpu.memref_slice %arg6[%dma_start3A_664] : memref<3x!tpu.dma_semaphore, #tpu.memory_space<semaphore_mem>> -> memref<1x!tpu.dma_semaphore, #tpu.memory_space<semaphore_mem>>
    %dma_start3A_672 = tpu.memref_squeeze %dma_start3A_671 : memref<1x!tpu.dma_semaphore, #tpu.memory_space<semaphore_mem>> -> memref<!tpu.dma_semaphore, #tpu.memory_space<semaphore_mem>>
    %dma_start3A_673 = arith.constant 0 : i32
    %dma_start3A_674 = arith.constant 0 : i32
    %dma_start3A_675 = tpu.memref_slice %arg5[%dma_start3A_663, %dma_start3A_673, %dma_start3A_674] : memref<3x32x1024xf32, #tpu.memory_space<vmem>> -> memref<1x32x1024xf32, #tpu.memory_space<vmem>>
    %dma_start3A_676 = tpu.memref_squeeze %dma_start3A_675 : memref<1x32x1024xf32, #tpu.memory_space<vmem>> -> memref<32x1024xf32, #tpu.memory_space<vmem>>
    %dma_start3A_677 = arith.constant 0 : i32
    %dma_start3A_678 = tpu.memref_slice %arg2[%add3A_662, %dma_start3A_677] : memref<16384x1024xf32, #tpu.memory_space<hbm>> -> memref<32x1024xf32, #tpu.memory_space<hbm>>
    tpu.enqueue_dma source(%dma_start3A_678 : memref<32x1024xf32, #tpu.memory_space<hbm>>) target(%dma_start3A_676 : memref<32x1024xf32, #tpu.memory_space<vmem>>) target_semaphore(%dma_start3A_672 : memref<!tpu.dma_semaphore, #tpu.memory_space<semaphore_mem>>)
    %add3A_679 = arith.constant 288 : i32
    %add3A_680 = arith.addi %mul3A_2, %add3A_679 : i32
    %dma_wait3A_681 = arith.constant 0 : i32
    %dma_wait3A_682 = arith.constant 0 : i32
    %dma_wait3A_683 = arith.constant 0 : i32
    %dma_wait3A_684 = arith.constant 0 : i32
    %dma_wait3A_685 = tpu.memref_slice %arg5[%dma_wait3A_681, %dma_wait3A_683, %dma_wait3A_684] : memref<3x32x1024xf32, #tpu.memory_space<vmem>> -> memref<1x32x1024xf32, #tpu.memory_space<vmem>>
    %dma_wait3A_686 = tpu.memref_squeeze %dma_wait3A_685 : memref<1x32x1024xf32, #tpu.memory_space<vmem>> -> memref<32x1024xf32, #tpu.memory_space<vmem>>
    %dma_wait3A_687 = arith.constant 0 : i32
    %dma_wait3A_688 = tpu.memref_slice %arg2[%add3A_680, %dma_wait3A_687] : memref<16384x1024xf32, #tpu.memory_space<hbm>> -> memref<32x1024xf32, #tpu.memory_space<hbm>>
    %dma_wait3A_689 = tpu.memref_slice %arg6[%dma_wait3A_682] : memref<3x!tpu.dma_semaphore, #tpu.memory_space<semaphore_mem>> -> memref<1x!tpu.dma_semaphore, #tpu.memory_space<semaphore_mem>>
    %dma_wait3A_690 = tpu.memref_squeeze %dma_wait3A_689 : memref<1x!tpu.dma_semaphore, #tpu.memory_space<semaphore_mem>> -> memref<!tpu.dma_semaphore, #tpu.memory_space<semaphore_mem>>
    %dma_wait3A_691 = arith.constant 0 : i32
    %dma_wait3A_692 = arith.constant 0 : i32
    %dma_wait3A_693 = tpu.memref_slice %arg5[%dma_wait3A_681, %dma_wait3A_691, %dma_wait3A_692] : memref<3x32x1024xf32, #tpu.memory_space<vmem>> -> memref<1x32x1024xf32, #tpu.memory_space<vmem>>
    %dma_wait3A_694 = tpu.memref_squeeze %dma_wait3A_693 : memref<1x32x1024xf32, #tpu.memory_space<vmem>> -> memref<32x1024xf32, #tpu.memory_space<vmem>>
    %dma_wait3A_695 = arith.constant 0 : i32
    %dma_wait3A_696 = tpu.memref_slice %arg2[%add3A_680, %dma_wait3A_695] : memref<16384x1024xf32, #tpu.memory_space<hbm>> -> memref<32x1024xf32, #tpu.memory_space<hbm>>
    tpu.wait_dma2 semaphore(%dma_wait3A_690 : memref<!tpu.dma_semaphore, #tpu.memory_space<semaphore_mem>>) src(%dma_wait3A_696 : memref<32x1024xf32, #tpu.memory_space<hbm>>) dst(%dma_wait3A_694 : memref<32x1024xf32, #tpu.memory_space<vmem>>)
    %add3A_697 = arith.constant 288 : i32
    %add3A_698 = arith.addi %mul3A_2, %add3A_697 : i32
    %dma_start3A_699 = arith.constant 0 : i32
    %dma_start3A_700 = arith.constant 0 : i32
    %dma_start3A_701 = arith.constant 0 : i32
    %dma_start3A_702 = arith.constant 0 : i32
    %dma_start3A_703 = tpu.memref_slice %arg5[%dma_start3A_699, %dma_start3A_701, %dma_start3A_702] : memref<3x32x1024xf32, #tpu.memory_space<vmem>> -> memref<1x32x1024xf32, #tpu.memory_space<vmem>>
    %dma_start3A_704 = tpu.memref_squeeze %dma_start3A_703 : memref<1x32x1024xf32, #tpu.memory_space<vmem>> -> memref<32x1024xf32, #tpu.memory_space<vmem>>
    %dma_start3A_705 = arith.constant 0 : i32
    %dma_start3A_706 = tpu.memref_slice %arg4[%add3A_698, %dma_start3A_705] : memref<16384x1024xf32, #tpu.memory_space<hbm>> -> memref<32x1024xf32, #tpu.memory_space<hbm>>
    %dma_start3A_707 = tpu.memref_slice %arg7[%dma_start3A_700] : memref<3x!tpu.dma_semaphore, #tpu.memory_space<semaphore_mem>> -> memref<1x!tpu.dma_semaphore, #tpu.memory_space<semaphore_mem>>
    %dma_start3A_708 = tpu.memref_squeeze %dma_start3A_707 : memref<1x!tpu.dma_semaphore, #tpu.memory_space<semaphore_mem>> -> memref<!tpu.dma_semaphore, #tpu.memory_space<semaphore_mem>>
    %dma_start3A_709 = arith.constant 0 : i32
    %dma_start3A_710 = tpu.memref_slice %arg4[%add3A_698, %dma_start3A_709] : memref<16384x1024xf32, #tpu.memory_space<hbm>> -> memref<32x1024xf32, #tpu.memory_space<hbm>>
    %dma_start3A_711 = arith.constant 0 : i32
    %dma_start3A_712 = arith.constant 0 : i32
    %dma_start3A_713 = tpu.memref_slice %arg5[%dma_start3A_699, %dma_start3A_711, %dma_start3A_712] : memref<3x32x1024xf32, #tpu.memory_space<vmem>> -> memref<1x32x1024xf32, #tpu.memory_space<vmem>>
    %dma_start3A_714 = tpu.memref_squeeze %dma_start3A_713 : memref<1x32x1024xf32, #tpu.memory_space<vmem>> -> memref<32x1024xf32, #tpu.memory_space<vmem>>
    tpu.enqueue_dma source(%dma_start3A_714 : memref<32x1024xf32, #tpu.memory_space<vmem>>) target(%dma_start3A_710 : memref<32x1024xf32, #tpu.memory_space<hbm>>) target_semaphore(%dma_start3A_708 : memref<!tpu.dma_semaphore, #tpu.memory_space<semaphore_mem>>)
    %add3A_715 = arith.constant 256 : i32
    %add3A_716 = arith.addi %mul3A_2, %add3A_715 : i32
    %dma_wait3A_717 = arith.constant 2 : i32
    %dma_wait3A_718 = arith.constant 2 : i32
    %dma_wait3A_719 = arith.constant 0 : i32
    %dma_wait3A_720 = arith.constant 0 : i32
    %dma_wait3A_721 = tpu.memref_slice %arg5[%dma_wait3A_717, %dma_wait3A_719, %dma_wait3A_720] : memref<3x32x1024xf32, #tpu.memory_space<vmem>> -> memref<1x32x1024xf32, #tpu.memory_space<vmem>>
    %dma_wait3A_722 = tpu.memref_squeeze %dma_wait3A_721 : memref<1x32x1024xf32, #tpu.memory_space<vmem>> -> memref<32x1024xf32, #tpu.memory_space<vmem>>
    %dma_wait3A_723 = arith.constant 0 : i32
    %dma_wait3A_724 = tpu.memref_slice %arg4[%add3A_716, %dma_wait3A_723] : memref<16384x1024xf32, #tpu.memory_space<hbm>> -> memref<32x1024xf32, #tpu.memory_space<hbm>>
    %dma_wait3A_725 = tpu.memref_slice %arg7[%dma_wait3A_718] : memref<3x!tpu.dma_semaphore, #tpu.memory_space<semaphore_mem>> -> memref<1x!tpu.dma_semaphore, #tpu.memory_space<semaphore_mem>>
    %dma_wait3A_726 = tpu.memref_squeeze %dma_wait3A_725 : memref<1x!tpu.dma_semaphore, #tpu.memory_space<semaphore_mem>> -> memref<!tpu.dma_semaphore, #tpu.memory_space<semaphore_mem>>
    %dma_wait3A_727 = arith.constant 0 : i32
    %dma_wait3A_728 = tpu.memref_slice %arg4[%add3A_716, %dma_wait3A_727] : memref<16384x1024xf32, #tpu.memory_space<hbm>> -> memref<32x1024xf32, #tpu.memory_space<hbm>>
    %dma_wait3A_729 = arith.constant 0 : i32
    %dma_wait3A_730 = arith.constant 0 : i32
    %dma_wait3A_731 = tpu.memref_slice %arg5[%dma_wait3A_717, %dma_wait3A_729, %dma_wait3A_730] : memref<3x32x1024xf32, #tpu.memory_space<vmem>> -> memref<1x32x1024xf32, #tpu.memory_space<vmem>>
    %dma_wait3A_732 = tpu.memref_squeeze %dma_wait3A_731 : memref<1x32x1024xf32, #tpu.memory_space<vmem>> -> memref<32x1024xf32, #tpu.memory_space<vmem>>
    tpu.wait_dma2 semaphore(%dma_wait3A_726 : memref<!tpu.dma_semaphore, #tpu.memory_space<semaphore_mem>>) src(%dma_wait3A_732 : memref<32x1024xf32, #tpu.memory_space<vmem>>) dst(%dma_wait3A_728 : memref<32x1024xf32, #tpu.memory_space<hbm>>)
    %add3A_733 = arith.constant 352 : i32
    %add3A_734 = arith.addi %mul3A_2, %add3A_733 : i32
    %dma_start3A_735 = arith.constant 2 : i32
    %dma_start3A_736 = arith.constant 2 : i32
    %dma_start3A_737 = arith.constant 0 : i32
    %dma_start3A_738 = arith.constant 0 : i32
    %dma_start3A_739 = tpu.memref_slice %arg5[%dma_start3A_735, %dma_start3A_737, %dma_start3A_738] : memref<3x32x1024xf32, #tpu.memory_space<vmem>> -> memref<1x32x1024xf32, #tpu.memory_space<vmem>>
    %dma_start3A_740 = tpu.memref_squeeze %dma_start3A_739 : memref<1x32x1024xf32, #tpu.memory_space<vmem>> -> memref<32x1024xf32, #tpu.memory_space<vmem>>
    %dma_start3A_741 = arith.constant 0 : i32
    %dma_start3A_742 = tpu.memref_slice %arg2[%add3A_734, %dma_start3A_741] : memref<16384x1024xf32, #tpu.memory_space<hbm>> -> memref<32x1024xf32, #tpu.memory_space<hbm>>
    %dma_start3A_743 = tpu.memref_slice %arg6[%dma_start3A_736] : memref<3x!tpu.dma_semaphore, #tpu.memory_space<semaphore_mem>> -> memref<1x!tpu.dma_semaphore, #tpu.memory_space<semaphore_mem>>
    %dma_start3A_744 = tpu.memref_squeeze %dma_start3A_743 : memref<1x!tpu.dma_semaphore, #tpu.memory_space<semaphore_mem>> -> memref<!tpu.dma_semaphore, #tpu.memory_space<semaphore_mem>>
    %dma_start3A_745 = arith.constant 0 : i32
    %dma_start3A_746 = arith.constant 0 : i32
    %dma_start3A_747 = tpu.memref_slice %arg5[%dma_start3A_735, %dma_start3A_745, %dma_start3A_746] : memref<3x32x1024xf32, #tpu.memory_space<vmem>> -> memref<1x32x1024xf32, #tpu.memory_space<vmem>>
    %dma_start3A_748 = tpu.memref_squeeze %dma_start3A_747 : memref<1x32x1024xf32, #tpu.memory_space<vmem>> -> memref<32x1024xf32, #tpu.memory_space<vmem>>
    %dma_start3A_749 = arith.constant 0 : i32
    %dma_start3A_750 = tpu.memref_slice %arg2[%add3A_734, %dma_start3A_749] : memref<16384x1024xf32, #tpu.memory_space<hbm>> -> memref<32x1024xf32, #tpu.memory_space<hbm>>
    tpu.enqueue_dma source(%dma_start3A_750 : memref<32x1024xf32, #tpu.memory_space<hbm>>) target(%dma_start3A_748 : memref<32x1024xf32, #tpu.memory_space<vmem>>) target_semaphore(%dma_start3A_744 : memref<!tpu.dma_semaphore, #tpu.memory_space<semaphore_mem>>)
    %add3A_751 = arith.constant 320 : i32
    %add3A_752 = arith.addi %mul3A_2, %add3A_751 : i32
    %dma_wait3A_753 = arith.constant 1 : i32
    %dma_wait3A_754 = arith.constant 1 : i32
    %dma_wait3A_755 = arith.constant 0 : i32
    %dma_wait3A_756 = arith.constant 0 : i32
    %dma_wait3A_757 = tpu.memref_slice %arg5[%dma_wait3A_753, %dma_wait3A_755, %dma_wait3A_756] : memref<3x32x1024xf32, #tpu.memory_space<vmem>> -> memref<1x32x1024xf32, #tpu.memory_space<vmem>>
    %dma_wait3A_758 = tpu.memref_squeeze %dma_wait3A_757 : memref<1x32x1024xf32, #tpu.memory_space<vmem>> -> memref<32x1024xf32, #tpu.memory_space<vmem>>
    %dma_wait3A_759 = arith.constant 0 : i32
    %dma_wait3A_760 = tpu.memref_slice %arg2[%add3A_752, %dma_wait3A_759] : memref<16384x1024xf32, #tpu.memory_space<hbm>> -> memref<32x1024xf32, #tpu.memory_space<hbm>>
    %dma_wait3A_761 = tpu.memref_slice %arg6[%dma_wait3A_754] : memref<3x!tpu.dma_semaphore, #tpu.memory_space<semaphore_mem>> -> memref<1x!tpu.dma_semaphore, #tpu.memory_space<semaphore_mem>>
    %dma_wait3A_762 = tpu.memref_squeeze %dma_wait3A_761 : memref<1x!tpu.dma_semaphore, #tpu.memory_space<semaphore_mem>> -> memref<!tpu.dma_semaphore, #tpu.memory_space<semaphore_mem>>
    %dma_wait3A_763 = arith.constant 0 : i32
    %dma_wait3A_764 = arith.constant 0 : i32
    %dma_wait3A_765 = tpu.memref_slice %arg5[%dma_wait3A_753, %dma_wait3A_763, %dma_wait3A_764] : memref<3x32x1024xf32, #tpu.memory_space<vmem>> -> memref<1x32x1024xf32, #tpu.memory_space<vmem>>
    %dma_wait3A_766 = tpu.memref_squeeze %dma_wait3A_765 : memref<1x32x1024xf32, #tpu.memory_space<vmem>> -> memref<32x1024xf32, #tpu.memory_space<vmem>>
    %dma_wait3A_767 = arith.constant 0 : i32
    %dma_wait3A_768 = tpu.memref_slice %arg2[%add3A_752, %dma_wait3A_767] : memref<16384x1024xf32, #tpu.memory_space<hbm>> -> memref<32x1024xf32, #tpu.memory_space<hbm>>
    tpu.wait_dma2 semaphore(%dma_wait3A_762 : memref<!tpu.dma_semaphore, #tpu.memory_space<semaphore_mem>>) src(%dma_wait3A_768 : memref<32x1024xf32, #tpu.memory_space<hbm>>) dst(%dma_wait3A_766 : memref<32x1024xf32, #tpu.memory_space<vmem>>)
    %add3A_769 = arith.constant 320 : i32
    %add3A_770 = arith.addi %mul3A_2, %add3A_769 : i32
    %dma_start3A_771 = arith.constant 1 : i32
    %dma_start3A_772 = arith.constant 1 : i32
    %dma_start3A_773 = arith.constant 0 : i32
    %dma_start3A_774 = arith.constant 0 : i32
    %dma_start3A_775 = tpu.memref_slice %arg5[%dma_start3A_771, %dma_start3A_773, %dma_start3A_774] : memref<3x32x1024xf32, #tpu.memory_space<vmem>> -> memref<1x32x1024xf32, #tpu.memory_space<vmem>>
    %dma_start3A_776 = tpu.memref_squeeze %dma_start3A_775 : memref<1x32x1024xf32, #tpu.memory_space<vmem>> -> memref<32x1024xf32, #tpu.memory_space<vmem>>
    %dma_start3A_777 = arith.constant 0 : i32
    %dma_start3A_778 = tpu.memref_slice %arg4[%add3A_770, %dma_start3A_777] : memref<16384x1024xf32, #tpu.memory_space<hbm>> -> memref<32x1024xf32, #tpu.memory_space<hbm>>
    %dma_start3A_779 = tpu.memref_slice %arg7[%dma_start3A_772] : memref<3x!tpu.dma_semaphore, #tpu.memory_space<semaphore_mem>> -> memref<1x!tpu.dma_semaphore, #tpu.memory_space<semaphore_mem>>
    %dma_start3A_780 = tpu.memref_squeeze %dma_start3A_779 : memref<1x!tpu.dma_semaphore, #tpu.memory_space<semaphore_mem>> -> memref<!tpu.dma_semaphore, #tpu.memory_space<semaphore_mem>>
    %dma_start3A_781 = arith.constant 0 : i32
    %dma_start3A_782 = tpu.memref_slice %arg4[%add3A_770, %dma_start3A_781] : memref<16384x1024xf32, #tpu.memory_space<hbm>> -> memref<32x1024xf32, #tpu.memory_space<hbm>>
    %dma_start3A_783 = arith.constant 0 : i32
    %dma_start3A_784 = arith.constant 0 : i32
    %dma_start3A_785 = tpu.memref_slice %arg5[%dma_start3A_771, %dma_start3A_783, %dma_start3A_784] : memref<3x32x1024xf32, #tpu.memory_space<vmem>> -> memref<1x32x1024xf32, #tpu.memory_space<vmem>>
    %dma_start3A_786 = tpu.memref_squeeze %dma_start3A_785 : memref<1x32x1024xf32, #tpu.memory_space<vmem>> -> memref<32x1024xf32, #tpu.memory_space<vmem>>
    tpu.enqueue_dma source(%dma_start3A_786 : memref<32x1024xf32, #tpu.memory_space<vmem>>) target(%dma_start3A_782 : memref<32x1024xf32, #tpu.memory_space<hbm>>) target_semaphore(%dma_start3A_780 : memref<!tpu.dma_semaphore, #tpu.memory_space<semaphore_mem>>)
    %add3A_787 = arith.constant 288 : i32
    %add3A_788 = arith.addi %mul3A_2, %add3A_787 : i32
    %dma_wait3A_789 = arith.constant 0 : i32
    %dma_wait3A_790 = arith.constant 0 : i32
    %dma_wait3A_791 = arith.constant 0 : i32
    %dma_wait3A_792 = arith.constant 0 : i32
    %dma_wait3A_793 = tpu.memref_slice %arg5[%dma_wait3A_789, %dma_wait3A_791, %dma_wait3A_792] : memref<3x32x1024xf32, #tpu.memory_space<vmem>> -> memref<1x32x1024xf32, #tpu.memory_space<vmem>>
    %dma_wait3A_794 = tpu.memref_squeeze %dma_wait3A_793 : memref<1x32x1024xf32, #tpu.memory_space<vmem>> -> memref<32x1024xf32, #tpu.memory_space<vmem>>
    %dma_wait3A_795 = arith.constant 0 : i32
    %dma_wait3A_796 = tpu.memref_slice %arg4[%add3A_788, %dma_wait3A_795] : memref<16384x1024xf32, #tpu.memory_space<hbm>> -> memref<32x1024xf32, #tpu.memory_space<hbm>>
    %dma_wait3A_797 = tpu.memref_slice %arg7[%dma_wait3A_790] : memref<3x!tpu.dma_semaphore, #tpu.memory_space<semaphore_mem>> -> memref<1x!tpu.dma_semaphore, #tpu.memory_space<semaphore_mem>>
    %dma_wait3A_798 = tpu.memref_squeeze %dma_wait3A_797 : memref<1x!tpu.dma_semaphore, #tpu.memory_space<semaphore_mem>> -> memref<!tpu.dma_semaphore, #tpu.memory_space<semaphore_mem>>
    %dma_wait3A_799 = arith.constant 0 : i32
    %dma_wait3A_800 = tpu.memref_slice %arg4[%add3A_788, %dma_wait3A_799] : memref<16384x1024xf32, #tpu.memory_space<hbm>> -> memref<32x1024xf32, #tpu.memory_space<hbm>>
    %dma_wait3A_801 = arith.constant 0 : i32
    %dma_wait3A_802 = arith.constant 0 : i32
    %dma_wait3A_803 = tpu.memref_slice %arg5[%dma_wait3A_789, %dma_wait3A_801, %dma_wait3A_802] : memref<3x32x1024xf32, #tpu.memory_space<vmem>> -> memref<1x32x1024xf32, #tpu.memory_space<vmem>>
    %dma_wait3A_804 = tpu.memref_squeeze %dma_wait3A_803 : memref<1x32x1024xf32, #tpu.memory_space<vmem>> -> memref<32x1024xf32, #tpu.memory_space<vmem>>
    tpu.wait_dma2 semaphore(%dma_wait3A_798 : memref<!tpu.dma_semaphore, #tpu.memory_space<semaphore_mem>>) src(%dma_wait3A_804 : memref<32x1024xf32, #tpu.memory_space<vmem>>) dst(%dma_wait3A_800 : memref<32x1024xf32, #tpu.memory_space<hbm>>)
    %add3A_805 = arith.constant 384 : i32
    %add3A_806 = arith.addi %mul3A_2, %add3A_805 : i32
    %dma_start3A_807 = arith.constant 0 : i32
    %dma_start3A_808 = arith.constant 0 : i32
    %dma_start3A_809 = arith.constant 0 : i32
    %dma_start3A_810 = arith.constant 0 : i32
    %dma_start3A_811 = tpu.memref_slice %arg5[%dma_start3A_807, %dma_start3A_809, %dma_start3A_810] : memref<3x32x1024xf32, #tpu.memory_space<vmem>> -> memref<1x32x1024xf32, #tpu.memory_space<vmem>>
    %dma_start3A_812 = tpu.memref_squeeze %dma_start3A_811 : memref<1x32x1024xf32, #tpu.memory_space<vmem>> -> memref<32x1024xf32, #tpu.memory_space<vmem>>
    %dma_start3A_813 = arith.constant 0 : i32
    %dma_start3A_814 = tpu.memref_slice %arg2[%add3A_806, %dma_start3A_813] : memref<16384x1024xf32, #tpu.memory_space<hbm>> -> memref<32x1024xf32, #tpu.memory_space<hbm>>
    %dma_start3A_815 = tpu.memref_slice %arg6[%dma_start3A_808] : memref<3x!tpu.dma_semaphore, #tpu.memory_space<semaphore_mem>> -> memref<1x!tpu.dma_semaphore, #tpu.memory_space<semaphore_mem>>
    %dma_start3A_816 = tpu.memref_squeeze %dma_start3A_815 : memref<1x!tpu.dma_semaphore, #tpu.memory_space<semaphore_mem>> -> memref<!tpu.dma_semaphore, #tpu.memory_space<semaphore_mem>>
    %dma_start3A_817 = arith.constant 0 : i32
    %dma_start3A_818 = arith.constant 0 : i32
    %dma_start3A_819 = tpu.memref_slice %arg5[%dma_start3A_807, %dma_start3A_817, %dma_start3A_818] : memref<3x32x1024xf32, #tpu.memory_space<vmem>> -> memref<1x32x1024xf32, #tpu.memory_space<vmem>>
    %dma_start3A_820 = tpu.memref_squeeze %dma_start3A_819 : memref<1x32x1024xf32, #tpu.memory_space<vmem>> -> memref<32x1024xf32, #tpu.memory_space<vmem>>
    %dma_start3A_821 = arith.constant 0 : i32
    %dma_start3A_822 = tpu.memref_slice %arg2[%add3A_806, %dma_start3A_821] : memref<16384x1024xf32, #tpu.memory_space<hbm>> -> memref<32x1024xf32, #tpu.memory_space<hbm>>
    tpu.enqueue_dma source(%dma_start3A_822 : memref<32x1024xf32, #tpu.memory_space<hbm>>) target(%dma_start3A_820 : memref<32x1024xf32, #tpu.memory_space<vmem>>) target_semaphore(%dma_start3A_816 : memref<!tpu.dma_semaphore, #tpu.memory_space<semaphore_mem>>)
    %add3A_823 = arith.constant 352 : i32
    %add3A_824 = arith.addi %mul3A_2, %add3A_823 : i32
    %dma_wait3A_825 = arith.constant 2 : i32
    %dma_wait3A_826 = arith.constant 2 : i32
    %dma_wait3A_827 = arith.constant 0 : i32
    %dma_wait3A_828 = arith.constant 0 : i32
    %dma_wait3A_829 = tpu.memref_slice %arg5[%dma_wait3A_825, %dma_wait3A_827, %dma_wait3A_828] : memref<3x32x1024xf32, #tpu.memory_space<vmem>> -> memref<1x32x1024xf32, #tpu.memory_space<vmem>>
    %dma_wait3A_830 = tpu.memref_squeeze %dma_wait3A_829 : memref<1x32x1024xf32, #tpu.memory_space<vmem>> -> memref<32x1024xf32, #tpu.memory_space<vmem>>
    %dma_wait3A_831 = arith.constant 0 : i32
    %dma_wait3A_832 = tpu.memref_slice %arg2[%add3A_824, %dma_wait3A_831] : memref<16384x1024xf32, #tpu.memory_space<hbm>> -> memref<32x1024xf32, #tpu.memory_space<hbm>>
    %dma_wait3A_833 = tpu.memref_slice %arg6[%dma_wait3A_826] : memref<3x!tpu.dma_semaphore, #tpu.memory_space<semaphore_mem>> -> memref<1x!tpu.dma_semaphore, #tpu.memory_space<semaphore_mem>>
    %dma_wait3A_834 = tpu.memref_squeeze %dma_wait3A_833 : memref<1x!tpu.dma_semaphore, #tpu.memory_space<semaphore_mem>> -> memref<!tpu.dma_semaphore, #tpu.memory_space<semaphore_mem>>
    %dma_wait3A_835 = arith.constant 0 : i32
    %dma_wait3A_836 = arith.constant 0 : i32
    %dma_wait3A_837 = tpu.memref_slice %arg5[%dma_wait3A_825, %dma_wait3A_835, %dma_wait3A_836] : memref<3x32x1024xf32, #tpu.memory_space<vmem>> -> memref<1x32x1024xf32, #tpu.memory_space<vmem>>
    %dma_wait3A_838 = tpu.memref_squeeze %dma_wait3A_837 : memref<1x32x1024xf32, #tpu.memory_space<vmem>> -> memref<32x1024xf32, #tpu.memory_space<vmem>>
    %dma_wait3A_839 = arith.constant 0 : i32
    %dma_wait3A_840 = tpu.memref_slice %arg2[%add3A_824, %dma_wait3A_839] : memref<16384x1024xf32, #tpu.memory_space<hbm>> -> memref<32x1024xf32, #tpu.memory_space<hbm>>
    tpu.wait_dma2 semaphore(%dma_wait3A_834 : memref<!tpu.dma_semaphore, #tpu.memory_space<semaphore_mem>>) src(%dma_wait3A_840 : memref<32x1024xf32, #tpu.memory_space<hbm>>) dst(%dma_wait3A_838 : memref<32x1024xf32, #tpu.memory_space<vmem>>)
    %add3A_841 = arith.constant 352 : i32
    %add3A_842 = arith.addi %mul3A_2, %add3A_841 : i32
    %dma_start3A_843 = arith.constant 2 : i32
    %dma_start3A_844 = arith.constant 2 : i32
    %dma_start3A_845 = arith.constant 0 : i32
    %dma_start3A_846 = arith.constant 0 : i32
    %dma_start3A_847 = tpu.memref_slice %arg5[%dma_start3A_843, %dma_start3A_845, %dma_start3A_846] : memref<3x32x1024xf32, #tpu.memory_space<vmem>> -> memref<1x32x1024xf32, #tpu.memory_space<vmem>>
    %dma_start3A_848 = tpu.memref_squeeze %dma_start3A_847 : memref<1x32x1024xf32, #tpu.memory_space<vmem>> -> memref<32x1024xf32, #tpu.memory_space<vmem>>
    %dma_start3A_849 = arith.constant 0 : i32
    %dma_start3A_850 = tpu.memref_slice %arg4[%add3A_842, %dma_start3A_849] : memref<16384x1024xf32, #tpu.memory_space<hbm>> -> memref<32x1024xf32, #tpu.memory_space<hbm>>
    %dma_start3A_851 = tpu.memref_slice %arg7[%dma_start3A_844] : memref<3x!tpu.dma_semaphore, #tpu.memory_space<semaphore_mem>> -> memref<1x!tpu.dma_semaphore, #tpu.memory_space<semaphore_mem>>
    %dma_start3A_852 = tpu.memref_squeeze %dma_start3A_851 : memref<1x!tpu.dma_semaphore, #tpu.memory_space<semaphore_mem>> -> memref<!tpu.dma_semaphore, #tpu.memory_space<semaphore_mem>>
    %dma_start3A_853 = arith.constant 0 : i32
    %dma_start3A_854 = tpu.memref_slice %arg4[%add3A_842, %dma_start3A_853] : memref<16384x1024xf32, #tpu.memory_space<hbm>> -> memref<32x1024xf32, #tpu.memory_space<hbm>>
    %dma_start3A_855 = arith.constant 0 : i32
    %dma_start3A_856 = arith.constant 0 : i32
    %dma_start3A_857 = tpu.memref_slice %arg5[%dma_start3A_843, %dma_start3A_855, %dma_start3A_856] : memref<3x32x1024xf32, #tpu.memory_space<vmem>> -> memref<1x32x1024xf32, #tpu.memory_space<vmem>>
    %dma_start3A_858 = tpu.memref_squeeze %dma_start3A_857 : memref<1x32x1024xf32, #tpu.memory_space<vmem>> -> memref<32x1024xf32, #tpu.memory_space<vmem>>
    tpu.enqueue_dma source(%dma_start3A_858 : memref<32x1024xf32, #tpu.memory_space<vmem>>) target(%dma_start3A_854 : memref<32x1024xf32, #tpu.memory_space<hbm>>) target_semaphore(%dma_start3A_852 : memref<!tpu.dma_semaphore, #tpu.memory_space<semaphore_mem>>)
    %add3A_859 = arith.constant 320 : i32
    %add3A_860 = arith.addi %mul3A_2, %add3A_859 : i32
    %dma_wait3A_861 = arith.constant 1 : i32
    %dma_wait3A_862 = arith.constant 1 : i32
    %dma_wait3A_863 = arith.constant 0 : i32
    %dma_wait3A_864 = arith.constant 0 : i32
    %dma_wait3A_865 = tpu.memref_slice %arg5[%dma_wait3A_861, %dma_wait3A_863, %dma_wait3A_864] : memref<3x32x1024xf32, #tpu.memory_space<vmem>> -> memref<1x32x1024xf32, #tpu.memory_space<vmem>>
    %dma_wait3A_866 = tpu.memref_squeeze %dma_wait3A_865 : memref<1x32x1024xf32, #tpu.memory_space<vmem>> -> memref<32x1024xf32, #tpu.memory_space<vmem>>
    %dma_wait3A_867 = arith.constant 0 : i32
    %dma_wait3A_868 = tpu.memref_slice %arg4[%add3A_860, %dma_wait3A_867] : memref<16384x1024xf32, #tpu.memory_space<hbm>> -> memref<32x1024xf32, #tpu.memory_space<hbm>>
    %dma_wait3A_869 = tpu.memref_slice %arg7[%dma_wait3A_862] : memref<3x!tpu.dma_semaphore, #tpu.memory_space<semaphore_mem>> -> memref<1x!tpu.dma_semaphore, #tpu.memory_space<semaphore_mem>>
    %dma_wait3A_870 = tpu.memref_squeeze %dma_wait3A_869 : memref<1x!tpu.dma_semaphore, #tpu.memory_space<semaphore_mem>> -> memref<!tpu.dma_semaphore, #tpu.memory_space<semaphore_mem>>
    %dma_wait3A_871 = arith.constant 0 : i32
    %dma_wait3A_872 = tpu.memref_slice %arg4[%add3A_860, %dma_wait3A_871] : memref<16384x1024xf32, #tpu.memory_space<hbm>> -> memref<32x1024xf32, #tpu.memory_space<hbm>>
    %dma_wait3A_873 = arith.constant 0 : i32
    %dma_wait3A_874 = arith.constant 0 : i32
    %dma_wait3A_875 = tpu.memref_slice %arg5[%dma_wait3A_861, %dma_wait3A_873, %dma_wait3A_874] : memref<3x32x1024xf32, #tpu.memory_space<vmem>> -> memref<1x32x1024xf32, #tpu.memory_space<vmem>>
    %dma_wait3A_876 = tpu.memref_squeeze %dma_wait3A_875 : memref<1x32x1024xf32, #tpu.memory_space<vmem>> -> memref<32x1024xf32, #tpu.memory_space<vmem>>
    tpu.wait_dma2 semaphore(%dma_wait3A_870 : memref<!tpu.dma_semaphore, #tpu.memory_space<semaphore_mem>>) src(%dma_wait3A_876 : memref<32x1024xf32, #tpu.memory_space<vmem>>) dst(%dma_wait3A_872 : memref<32x1024xf32, #tpu.memory_space<hbm>>)
    %add3A_877 = arith.constant 416 : i32
    %add3A_878 = arith.addi %mul3A_2, %add3A_877 : i32
    %dma_start3A_879 = arith.constant 1 : i32
    %dma_start3A_880 = arith.constant 1 : i32
    %dma_start3A_881 = arith.constant 0 : i32
    %dma_start3A_882 = arith.constant 0 : i32
    %dma_start3A_883 = tpu.memref_slice %arg5[%dma_start3A_879, %dma_start3A_881, %dma_start3A_882] : memref<3x32x1024xf32, #tpu.memory_space<vmem>> -> memref<1x32x1024xf32, #tpu.memory_space<vmem>>
    %dma_start3A_884 = tpu.memref_squeeze %dma_start3A_883 : memref<1x32x1024xf32, #tpu.memory_space<vmem>> -> memref<32x1024xf32, #tpu.memory_space<vmem>>
    %dma_start3A_885 = arith.constant 0 : i32
    %dma_start3A_886 = tpu.memref_slice %arg2[%add3A_878, %dma_start3A_885] : memref<16384x1024xf32, #tpu.memory_space<hbm>> -> memref<32x1024xf32, #tpu.memory_space<hbm>>
    %dma_start3A_887 = tpu.memref_slice %arg6[%dma_start3A_880] : memref<3x!tpu.dma_semaphore, #tpu.memory_space<semaphore_mem>> -> memref<1x!tpu.dma_semaphore, #tpu.memory_space<semaphore_mem>>
    %dma_start3A_888 = tpu.memref_squeeze %dma_start3A_887 : memref<1x!tpu.dma_semaphore, #tpu.memory_space<semaphore_mem>> -> memref<!tpu.dma_semaphore, #tpu.memory_space<semaphore_mem>>
    %dma_start3A_889 = arith.constant 0 : i32
    %dma_start3A_890 = arith.constant 0 : i32
    %dma_start3A_891 = tpu.memref_slice %arg5[%dma_start3A_879, %dma_start3A_889, %dma_start3A_890] : memref<3x32x1024xf32, #tpu.memory_space<vmem>> -> memref<1x32x1024xf32, #tpu.memory_space<vmem>>
    %dma_start3A_892 = tpu.memref_squeeze %dma_start3A_891 : memref<1x32x1024xf32, #tpu.memory_space<vmem>> -> memref<32x1024xf32, #tpu.memory_space<vmem>>
    %dma_start3A_893 = arith.constant 0 : i32
    %dma_start3A_894 = tpu.memref_slice %arg2[%add3A_878, %dma_start3A_893] : memref<16384x1024xf32, #tpu.memory_space<hbm>> -> memref<32x1024xf32, #tpu.memory_space<hbm>>
    tpu.enqueue_dma source(%dma_start3A_894 : memref<32x1024xf32, #tpu.memory_space<hbm>>) target(%dma_start3A_892 : memref<32x1024xf32, #tpu.memory_space<vmem>>) target_semaphore(%dma_start3A_888 : memref<!tpu.dma_semaphore, #tpu.memory_space<semaphore_mem>>)
    %add3A_895 = arith.constant 384 : i32
    %add3A_896 = arith.addi %mul3A_2, %add3A_895 : i32
    %dma_wait3A_897 = arith.constant 0 : i32
    %dma_wait3A_898 = arith.constant 0 : i32
    %dma_wait3A_899 = arith.constant 0 : i32
    %dma_wait3A_900 = arith.constant 0 : i32
    %dma_wait3A_901 = tpu.memref_slice %arg5[%dma_wait3A_897, %dma_wait3A_899, %dma_wait3A_900] : memref<3x32x1024xf32, #tpu.memory_space<vmem>> -> memref<1x32x1024xf32, #tpu.memory_space<vmem>>
    %dma_wait3A_902 = tpu.memref_squeeze %dma_wait3A_901 : memref<1x32x1024xf32, #tpu.memory_space<vmem>> -> memref<32x1024xf32, #tpu.memory_space<vmem>>
    %dma_wait3A_903 = arith.constant 0 : i32
    %dma_wait3A_904 = tpu.memref_slice %arg2[%add3A_896, %dma_wait3A_903] : memref<16384x1024xf32, #tpu.memory_space<hbm>> -> memref<32x1024xf32, #tpu.memory_space<hbm>>
    %dma_wait3A_905 = tpu.memref_slice %arg6[%dma_wait3A_898] : memref<3x!tpu.dma_semaphore, #tpu.memory_space<semaphore_mem>> -> memref<1x!tpu.dma_semaphore, #tpu.memory_space<semaphore_mem>>
    %dma_wait3A_906 = tpu.memref_squeeze %dma_wait3A_905 : memref<1x!tpu.dma_semaphore, #tpu.memory_space<semaphore_mem>> -> memref<!tpu.dma_semaphore, #tpu.memory_space<semaphore_mem>>
    %dma_wait3A_907 = arith.constant 0 : i32
    %dma_wait3A_908 = arith.constant 0 : i32
    %dma_wait3A_909 = tpu.memref_slice %arg5[%dma_wait3A_897, %dma_wait3A_907, %dma_wait3A_908] : memref<3x32x1024xf32, #tpu.memory_space<vmem>> -> memref<1x32x1024xf32, #tpu.memory_space<vmem>>
    %dma_wait3A_910 = tpu.memref_squeeze %dma_wait3A_909 : memref<1x32x1024xf32, #tpu.memory_space<vmem>> -> memref<32x1024xf32, #tpu.memory_space<vmem>>
    %dma_wait3A_911 = arith.constant 0 : i32
    %dma_wait3A_912 = tpu.memref_slice %arg2[%add3A_896, %dma_wait3A_911] : memref<16384x1024xf32, #tpu.memory_space<hbm>> -> memref<32x1024xf32, #tpu.memory_space<hbm>>
    tpu.wait_dma2 semaphore(%dma_wait3A_906 : memref<!tpu.dma_semaphore, #tpu.memory_space<semaphore_mem>>) src(%dma_wait3A_912 : memref<32x1024xf32, #tpu.memory_space<hbm>>) dst(%dma_wait3A_910 : memref<32x1024xf32, #tpu.memory_space<vmem>>)
    %add3A_913 = arith.constant 384 : i32
    %add3A_914 = arith.addi %mul3A_2, %add3A_913 : i32
    %dma_start3A_915 = arith.constant 0 : i32
    %dma_start3A_916 = arith.constant 0 : i32
    %dma_start3A_917 = arith.constant 0 : i32
    %dma_start3A_918 = arith.constant 0 : i32
    %dma_start3A_919 = tpu.memref_slice %arg5[%dma_start3A_915, %dma_start3A_917, %dma_start3A_918] : memref<3x32x1024xf32, #tpu.memory_space<vmem>> -> memref<1x32x1024xf32, #tpu.memory_space<vmem>>
    %dma_start3A_920 = tpu.memref_squeeze %dma_start3A_919 : memref<1x32x1024xf32, #tpu.memory_space<vmem>> -> memref<32x1024xf32, #tpu.memory_space<vmem>>
    %dma_start3A_921 = arith.constant 0 : i32
    %dma_start3A_922 = tpu.memref_slice %arg4[%add3A_914, %dma_start3A_921] : memref<16384x1024xf32, #tpu.memory_space<hbm>> -> memref<32x1024xf32, #tpu.memory_space<hbm>>
    %dma_start3A_923 = tpu.memref_slice %arg7[%dma_start3A_916] : memref<3x!tpu.dma_semaphore, #tpu.memory_space<semaphore_mem>> -> memref<1x!tpu.dma_semaphore, #tpu.memory_space<semaphore_mem>>
    %dma_start3A_924 = tpu.memref_squeeze %dma_start3A_923 : memref<1x!tpu.dma_semaphore, #tpu.memory_space<semaphore_mem>> -> memref<!tpu.dma_semaphore, #tpu.memory_space<semaphore_mem>>
    %dma_start3A_925 = arith.constant 0 : i32
    %dma_start3A_926 = tpu.memref_slice %arg4[%add3A_914, %dma_start3A_925] : memref<16384x1024xf32, #tpu.memory_space<hbm>> -> memref<32x1024xf32, #tpu.memory_space<hbm>>
    %dma_start3A_927 = arith.constant 0 : i32
    %dma_start3A_928 = arith.constant 0 : i32
    %dma_start3A_929 = tpu.memref_slice %arg5[%dma_start3A_915, %dma_start3A_927, %dma_start3A_928] : memref<3x32x1024xf32, #tpu.memory_space<vmem>> -> memref<1x32x1024xf32, #tpu.memory_space<vmem>>
    %dma_start3A_930 = tpu.memref_squeeze %dma_start3A_929 : memref<1x32x1024xf32, #tpu.memory_space<vmem>> -> memref<32x1024xf32, #tpu.memory_space<vmem>>
    tpu.enqueue_dma source(%dma_start3A_930 : memref<32x1024xf32, #tpu.memory_space<vmem>>) target(%dma_start3A_926 : memref<32x1024xf32, #tpu.memory_space<hbm>>) target_semaphore(%dma_start3A_924 : memref<!tpu.dma_semaphore, #tpu.memory_space<semaphore_mem>>)
    %add3A_931 = arith.constant 352 : i32
    %add3A_932 = arith.addi %mul3A_2, %add3A_931 : i32
    %dma_wait3A_933 = arith.constant 2 : i32
    %dma_wait3A_934 = arith.constant 2 : i32
    %dma_wait3A_935 = arith.constant 0 : i32
    %dma_wait3A_936 = arith.constant 0 : i32
    %dma_wait3A_937 = tpu.memref_slice %arg5[%dma_wait3A_933, %dma_wait3A_935, %dma_wait3A_936] : memref<3x32x1024xf32, #tpu.memory_space<vmem>> -> memref<1x32x1024xf32, #tpu.memory_space<vmem>>
    %dma_wait3A_938 = tpu.memref_squeeze %dma_wait3A_937 : memref<1x32x1024xf32, #tpu.memory_space<vmem>> -> memref<32x1024xf32, #tpu.memory_space<vmem>>
    %dma_wait3A_939 = arith.constant 0 : i32
    %dma_wait3A_940 = tpu.memref_slice %arg4[%add3A_932, %dma_wait3A_939] : memref<16384x1024xf32, #tpu.memory_space<hbm>> -> memref<32x1024xf32, #tpu.memory_space<hbm>>
    %dma_wait3A_941 = tpu.memref_slice %arg7[%dma_wait3A_934] : memref<3x!tpu.dma_semaphore, #tpu.memory_space<semaphore_mem>> -> memref<1x!tpu.dma_semaphore, #tpu.memory_space<semaphore_mem>>
    %dma_wait3A_942 = tpu.memref_squeeze %dma_wait3A_941 : memref<1x!tpu.dma_semaphore, #tpu.memory_space<semaphore_mem>> -> memref<!tpu.dma_semaphore, #tpu.memory_space<semaphore_mem>>
    %dma_wait3A_943 = arith.constant 0 : i32
    %dma_wait3A_944 = tpu.memref_slice %arg4[%add3A_932, %dma_wait3A_943] : memref<16384x1024xf32, #tpu.memory_space<hbm>> -> memref<32x1024xf32, #tpu.memory_space<hbm>>
    %dma_wait3A_945 = arith.constant 0 : i32
    %dma_wait3A_946 = arith.constant 0 : i32
    %dma_wait3A_947 = tpu.memref_slice %arg5[%dma_wait3A_933, %dma_wait3A_945, %dma_wait3A_946] : memref<3x32x1024xf32, #tpu.memory_space<vmem>> -> memref<1x32x1024xf32, #tpu.memory_space<vmem>>
    %dma_wait3A_948 = tpu.memref_squeeze %dma_wait3A_947 : memref<1x32x1024xf32, #tpu.memory_space<vmem>> -> memref<32x1024xf32, #tpu.memory_space<vmem>>
    tpu.wait_dma2 semaphore(%dma_wait3A_942 : memref<!tpu.dma_semaphore, #tpu.memory_space<semaphore_mem>>) src(%dma_wait3A_948 : memref<32x1024xf32, #tpu.memory_space<vmem>>) dst(%dma_wait3A_944 : memref<32x1024xf32, #tpu.memory_space<hbm>>)
    %add3A_949 = arith.constant 448 : i32
    %add3A_950 = arith.addi %mul3A_2, %add3A_949 : i32
    %dma_start3A_951 = arith.constant 2 : i32
    %dma_start3A_952 = arith.constant 2 : i32
    %dma_start3A_953 = arith.constant 0 : i32
    %dma_start3A_954 = arith.constant 0 : i32
    %dma_start3A_955 = tpu.memref_slice %arg5[%dma_start3A_951, %dma_start3A_953, %dma_start3A_954] : memref<3x32x1024xf32, #tpu.memory_space<vmem>> -> memref<1x32x1024xf32, #tpu.memory_space<vmem>>
    %dma_start3A_956 = tpu.memref_squeeze %dma_start3A_955 : memref<1x32x1024xf32, #tpu.memory_space<vmem>> -> memref<32x1024xf32, #tpu.memory_space<vmem>>
    %dma_start3A_957 = arith.constant 0 : i32
    %dma_start3A_958 = tpu.memref_slice %arg2[%add3A_950, %dma_start3A_957] : memref<16384x1024xf32, #tpu.memory_space<hbm>> -> memref<32x1024xf32, #tpu.memory_space<hbm>>
    %dma_start3A_959 = tpu.memref_slice %arg6[%dma_start3A_952] : memref<3x!tpu.dma_semaphore, #tpu.memory_space<semaphore_mem>> -> memref<1x!tpu.dma_semaphore, #tpu.memory_space<semaphore_mem>>
    %dma_start3A_960 = tpu.memref_squeeze %dma_start3A_959 : memref<1x!tpu.dma_semaphore, #tpu.memory_space<semaphore_mem>> -> memref<!tpu.dma_semaphore, #tpu.memory_space<semaphore_mem>>
    %dma_start3A_961 = arith.constant 0 : i32
    %dma_start3A_962 = arith.constant 0 : i32
    %dma_start3A_963 = tpu.memref_slice %arg5[%dma_start3A_951, %dma_start3A_961, %dma_start3A_962] : memref<3x32x1024xf32, #tpu.memory_space<vmem>> -> memref<1x32x1024xf32, #tpu.memory_space<vmem>>
    %dma_start3A_964 = tpu.memref_squeeze %dma_start3A_963 : memref<1x32x1024xf32, #tpu.memory_space<vmem>> -> memref<32x1024xf32, #tpu.memory_space<vmem>>
    %dma_start3A_965 = arith.constant 0 : i32
    %dma_start3A_966 = tpu.memref_slice %arg2[%add3A_950, %dma_start3A_965] : memref<16384x1024xf32, #tpu.memory_space<hbm>> -> memref<32x1024xf32, #tpu.memory_space<hbm>>
    tpu.enqueue_dma source(%dma_start3A_966 : memref<32x1024xf32, #tpu.memory_space<hbm>>) target(%dma_start3A_964 : memref<32x1024xf32, #tpu.memory_space<vmem>>) target_semaphore(%dma_start3A_960 : memref<!tpu.dma_semaphore, #tpu.memory_space<semaphore_mem>>)
    %add3A_967 = arith.constant 416 : i32
    %add3A_968 = arith.addi %mul3A_2, %add3A_967 : i32
    %dma_wait3A_969 = arith.constant 1 : i32
    %dma_wait3A_970 = arith.constant 1 : i32
    %dma_wait3A_971 = arith.constant 0 : i32
    %dma_wait3A_972 = arith.constant 0 : i32
    %dma_wait3A_973 = tpu.memref_slice %arg5[%dma_wait3A_969, %dma_wait3A_971, %dma_wait3A_972] : memref<3x32x1024xf32, #tpu.memory_space<vmem>> -> memref<1x32x1024xf32, #tpu.memory_space<vmem>>
    %dma_wait3A_974 = tpu.memref_squeeze %dma_wait3A_973 : memref<1x32x1024xf32, #tpu.memory_space<vmem>> -> memref<32x1024xf32, #tpu.memory_space<vmem>>
    %dma_wait3A_975 = arith.constant 0 : i32
    %dma_wait3A_976 = tpu.memref_slice %arg2[%add3A_968, %dma_wait3A_975] : memref<16384x1024xf32, #tpu.memory_space<hbm>> -> memref<32x1024xf32, #tpu.memory_space<hbm>>
    %dma_wait3A_977 = tpu.memref_slice %arg6[%dma_wait3A_970] : memref<3x!tpu.dma_semaphore, #tpu.memory_space<semaphore_mem>> -> memref<1x!tpu.dma_semaphore, #tpu.memory_space<semaphore_mem>>
    %dma_wait3A_978 = tpu.memref_squeeze %dma_wait3A_977 : memref<1x!tpu.dma_semaphore, #tpu.memory_space<semaphore_mem>> -> memref<!tpu.dma_semaphore, #tpu.memory_space<semaphore_mem>>
    %dma_wait3A_979 = arith.constant 0 : i32
    %dma_wait3A_980 = arith.constant 0 : i32
    %dma_wait3A_981 = tpu.memref_slice %arg5[%dma_wait3A_969, %dma_wait3A_979, %dma_wait3A_980] : memref<3x32x1024xf32, #tpu.memory_space<vmem>> -> memref<1x32x1024xf32, #tpu.memory_space<vmem>>
    %dma_wait3A_982 = tpu.memref_squeeze %dma_wait3A_981 : memref<1x32x1024xf32, #tpu.memory_space<vmem>> -> memref<32x1024xf32, #tpu.memory_space<vmem>>
    %dma_wait3A_983 = arith.constant 0 : i32
    %dma_wait3A_984 = tpu.memref_slice %arg2[%add3A_968, %dma_wait3A_983] : memref<16384x1024xf32, #tpu.memory_space<hbm>> -> memref<32x1024xf32, #tpu.memory_space<hbm>>
    tpu.wait_dma2 semaphore(%dma_wait3A_978 : memref<!tpu.dma_semaphore, #tpu.memory_space<semaphore_mem>>) src(%dma_wait3A_984 : memref<32x1024xf32, #tpu.memory_space<hbm>>) dst(%dma_wait3A_982 : memref<32x1024xf32, #tpu.memory_space<vmem>>)
    %add3A_985 = arith.constant 416 : i32
    %add3A_986 = arith.addi %mul3A_2, %add3A_985 : i32
    %dma_start3A_987 = arith.constant 1 : i32
    %dma_start3A_988 = arith.constant 1 : i32
    %dma_start3A_989 = arith.constant 0 : i32
    %dma_start3A_990 = arith.constant 0 : i32
    %dma_start3A_991 = tpu.memref_slice %arg5[%dma_start3A_987, %dma_start3A_989, %dma_start3A_990] : memref<3x32x1024xf32, #tpu.memory_space<vmem>> -> memref<1x32x1024xf32, #tpu.memory_space<vmem>>
    %dma_start3A_992 = tpu.memref_squeeze %dma_start3A_991 : memref<1x32x1024xf32, #tpu.memory_space<vmem>> -> memref<32x1024xf32, #tpu.memory_space<vmem>>
    %dma_start3A_993 = arith.constant 0 : i32
    %dma_start3A_994 = tpu.memref_slice %arg4[%add3A_986, %dma_start3A_993] : memref<16384x1024xf32, #tpu.memory_space<hbm>> -> memref<32x1024xf32, #tpu.memory_space<hbm>>
    %dma_start3A_995 = tpu.memref_slice %arg7[%dma_start3A_988] : memref<3x!tpu.dma_semaphore, #tpu.memory_space<semaphore_mem>> -> memref<1x!tpu.dma_semaphore, #tpu.memory_space<semaphore_mem>>
    %dma_start3A_996 = tpu.memref_squeeze %dma_start3A_995 : memref<1x!tpu.dma_semaphore, #tpu.memory_space<semaphore_mem>> -> memref<!tpu.dma_semaphore, #tpu.memory_space<semaphore_mem>>
    %dma_start3A_997 = arith.constant 0 : i32
    %dma_start3A_998 = tpu.memref_slice %arg4[%add3A_986, %dma_start3A_997] : memref<16384x1024xf32, #tpu.memory_space<hbm>> -> memref<32x1024xf32, #tpu.memory_space<hbm>>
    %dma_start3A_999 = arith.constant 0 : i32
    %dma_start3A_1000 = arith.constant 0 : i32
    %dma_start3A_1001 = tpu.memref_slice %arg5[%dma_start3A_987, %dma_start3A_999, %dma_start3A_1000] : memref<3x32x1024xf32, #tpu.memory_space<vmem>> -> memref<1x32x1024xf32, #tpu.memory_space<vmem>>
    %dma_start3A_1002 = tpu.memref_squeeze %dma_start3A_1001 : memref<1x32x1024xf32, #tpu.memory_space<vmem>> -> memref<32x1024xf32, #tpu.memory_space<vmem>>
    tpu.enqueue_dma source(%dma_start3A_1002 : memref<32x1024xf32, #tpu.memory_space<vmem>>) target(%dma_start3A_998 : memref<32x1024xf32, #tpu.memory_space<hbm>>) target_semaphore(%dma_start3A_996 : memref<!tpu.dma_semaphore, #tpu.memory_space<semaphore_mem>>)
    %add3A_1003 = arith.constant 384 : i32
    %add3A_1004 = arith.addi %mul3A_2, %add3A_1003 : i32
    %dma_wait3A_1005 = arith.constant 0 : i32
    %dma_wait3A_1006 = arith.constant 0 : i32
    %dma_wait3A_1007 = arith.constant 0 : i32
    %dma_wait3A_1008 = arith.constant 0 : i32
    %dma_wait3A_1009 = tpu.memref_slice %arg5[%dma_wait3A_1005, %dma_wait3A_1007, %dma_wait3A_1008] : memref<3x32x1024xf32, #tpu.memory_space<vmem>> -> memref<1x32x1024xf32, #tpu.memory_space<vmem>>
    %dma_wait3A_1010 = tpu.memref_squeeze %dma_wait3A_1009 : memref<1x32x1024xf32, #tpu.memory_space<vmem>> -> memref<32x1024xf32, #tpu.memory_space<vmem>>
    %dma_wait3A_1011 = arith.constant 0 : i32
    %dma_wait3A_1012 = tpu.memref_slice %arg4[%add3A_1004, %dma_wait3A_1011] : memref<16384x1024xf32, #tpu.memory_space<hbm>> -> memref<32x1024xf32, #tpu.memory_space<hbm>>
    %dma_wait3A_1013 = tpu.memref_slice %arg7[%dma_wait3A_1006] : memref<3x!tpu.dma_semaphore, #tpu.memory_space<semaphore_mem>> -> memref<1x!tpu.dma_semaphore, #tpu.memory_space<semaphore_mem>>
    %dma_wait3A_1014 = tpu.memref_squeeze %dma_wait3A_1013 : memref<1x!tpu.dma_semaphore, #tpu.memory_space<semaphore_mem>> -> memref<!tpu.dma_semaphore, #tpu.memory_space<semaphore_mem>>
    %dma_wait3A_1015 = arith.constant 0 : i32
    %dma_wait3A_1016 = tpu.memref_slice %arg4[%add3A_1004, %dma_wait3A_1015] : memref<16384x1024xf32, #tpu.memory_space<hbm>> -> memref<32x1024xf32, #tpu.memory_space<hbm>>
    %dma_wait3A_1017 = arith.constant 0 : i32
    %dma_wait3A_1018 = arith.constant 0 : i32
    %dma_wait3A_1019 = tpu.memref_slice %arg5[%dma_wait3A_1005, %dma_wait3A_1017, %dma_wait3A_1018] : memref<3x32x1024xf32, #tpu.memory_space<vmem>> -> memref<1x32x1024xf32, #tpu.memory_space<vmem>>
    %dma_wait3A_1020 = tpu.memref_squeeze %dma_wait3A_1019 : memref<1x32x1024xf32, #tpu.memory_space<vmem>> -> memref<32x1024xf32, #tpu.memory_space<vmem>>
    tpu.wait_dma2 semaphore(%dma_wait3A_1014 : memref<!tpu.dma_semaphore, #tpu.memory_space<semaphore_mem>>) src(%dma_wait3A_1020 : memref<32x1024xf32, #tpu.memory_space<vmem>>) dst(%dma_wait3A_1016 : memref<32x1024xf32, #tpu.memory_space<hbm>>)
    %add3A_1021 = arith.constant 480 : i32
    %add3A_1022 = arith.addi %mul3A_2, %add3A_1021 : i32
    %dma_start3A_1023 = arith.constant 0 : i32
    %dma_start3A_1024 = arith.constant 0 : i32
    %dma_start3A_1025 = arith.constant 0 : i32
    %dma_start3A_1026 = arith.constant 0 : i32
    %dma_start3A_1027 = tpu.memref_slice %arg5[%dma_start3A_1023, %dma_start3A_1025, %dma_start3A_1026] : memref<3x32x1024xf32, #tpu.memory_space<vmem>> -> memref<1x32x1024xf32, #tpu.memory_space<vmem>>
    %dma_start3A_1028 = tpu.memref_squeeze %dma_start3A_1027 : memref<1x32x1024xf32, #tpu.memory_space<vmem>> -> memref<32x1024xf32, #tpu.memory_space<vmem>>
    %dma_start3A_1029 = arith.constant 0 : i32
    %dma_start3A_1030 = tpu.memref_slice %arg2[%add3A_1022, %dma_start3A_1029] : memref<16384x1024xf32, #tpu.memory_space<hbm>> -> memref<32x1024xf32, #tpu.memory_space<hbm>>
    %dma_start3A_1031 = tpu.memref_slice %arg6[%dma_start3A_1024] : memref<3x!tpu.dma_semaphore, #tpu.memory_space<semaphore_mem>> -> memref<1x!tpu.dma_semaphore, #tpu.memory_space<semaphore_mem>>
    %dma_start3A_1032 = tpu.memref_squeeze %dma_start3A_1031 : memref<1x!tpu.dma_semaphore, #tpu.memory_space<semaphore_mem>> -> memref<!tpu.dma_semaphore, #tpu.memory_space<semaphore_mem>>
    %dma_start3A_1033 = arith.constant 0 : i32
    %dma_start3A_1034 = arith.constant 0 : i32
    %dma_start3A_1035 = tpu.memref_slice %arg5[%dma_start3A_1023, %dma_start3A_1033, %dma_start3A_1034] : memref<3x32x1024xf32, #tpu.memory_space<vmem>> -> memref<1x32x1024xf32, #tpu.memory_space<vmem>>
    %dma_start3A_1036 = tpu.memref_squeeze %dma_start3A_1035 : memref<1x32x1024xf32, #tpu.memory_space<vmem>> -> memref<32x1024xf32, #tpu.memory_space<vmem>>
    %dma_start3A_1037 = arith.constant 0 : i32
    %dma_start3A_1038 = tpu.memref_slice %arg2[%add3A_1022, %dma_start3A_1037] : memref<16384x1024xf32, #tpu.memory_space<hbm>> -> memref<32x1024xf32, #tpu.memory_space<hbm>>
    tpu.enqueue_dma source(%dma_start3A_1038 : memref<32x1024xf32, #tpu.memory_space<hbm>>) target(%dma_start3A_1036 : memref<32x1024xf32, #tpu.memory_space<vmem>>) target_semaphore(%dma_start3A_1032 : memref<!tpu.dma_semaphore, #tpu.memory_space<semaphore_mem>>)
    %add3A_1039 = arith.constant 448 : i32
    %add3A_1040 = arith.addi %mul3A_2, %add3A_1039 : i32
    %dma_wait3A_1041 = arith.constant 2 : i32
    %dma_wait3A_1042 = arith.constant 2 : i32
    %dma_wait3A_1043 = arith.constant 0 : i32
    %dma_wait3A_1044 = arith.constant 0 : i32
    %dma_wait3A_1045 = tpu.memref_slice %arg5[%dma_wait3A_1041, %dma_wait3A_1043, %dma_wait3A_1044] : memref<3x32x1024xf32, #tpu.memory_space<vmem>> -> memref<1x32x1024xf32, #tpu.memory_space<vmem>>
    %dma_wait3A_1046 = tpu.memref_squeeze %dma_wait3A_1045 : memref<1x32x1024xf32, #tpu.memory_space<vmem>> -> memref<32x1024xf32, #tpu.memory_space<vmem>>
    %dma_wait3A_1047 = arith.constant 0 : i32
    %dma_wait3A_1048 = tpu.memref_slice %arg2[%add3A_1040, %dma_wait3A_1047] : memref<16384x1024xf32, #tpu.memory_space<hbm>> -> memref<32x1024xf32, #tpu.memory_space<hbm>>
    %dma_wait3A_1049 = tpu.memref_slice %arg6[%dma_wait3A_1042] : memref<3x!tpu.dma_semaphore, #tpu.memory_space<semaphore_mem>> -> memref<1x!tpu.dma_semaphore, #tpu.memory_space<semaphore_mem>>
    %dma_wait3A_1050 = tpu.memref_squeeze %dma_wait3A_1049 : memref<1x!tpu.dma_semaphore, #tpu.memory_space<semaphore_mem>> -> memref<!tpu.dma_semaphore, #tpu.memory_space<semaphore_mem>>
    %dma_wait3A_1051 = arith.constant 0 : i32
    %dma_wait3A_1052 = arith.constant 0 : i32
    %dma_wait3A_1053 = tpu.memref_slice %arg5[%dma_wait3A_1041, %dma_wait3A_1051, %dma_wait3A_1052] : memref<3x32x1024xf32, #tpu.memory_space<vmem>> -> memref<1x32x1024xf32, #tpu.memory_space<vmem>>
    %dma_wait3A_1054 = tpu.memref_squeeze %dma_wait3A_1053 : memref<1x32x1024xf32, #tpu.memory_space<vmem>> -> memref<32x1024xf32, #tpu.memory_space<vmem>>
    %dma_wait3A_1055 = arith.constant 0 : i32
    %dma_wait3A_1056 = tpu.memref_slice %arg2[%add3A_1040, %dma_wait3A_1055] : memref<16384x1024xf32, #tpu.memory_space<hbm>> -> memref<32x1024xf32, #tpu.memory_space<hbm>>
    tpu.wait_dma2 semaphore(%dma_wait3A_1050 : memref<!tpu.dma_semaphore, #tpu.memory_space<semaphore_mem>>) src(%dma_wait3A_1056 : memref<32x1024xf32, #tpu.memory_space<hbm>>) dst(%dma_wait3A_1054 : memref<32x1024xf32, #tpu.memory_space<vmem>>)
    %add3A_1057 = arith.constant 448 : i32
    %add3A_1058 = arith.addi %mul3A_2, %add3A_1057 : i32
    %dma_start3A_1059 = arith.constant 2 : i32
    %dma_start3A_1060 = arith.constant 2 : i32
    %dma_start3A_1061 = arith.constant 0 : i32
    %dma_start3A_1062 = arith.constant 0 : i32
    %dma_start3A_1063 = tpu.memref_slice %arg5[%dma_start3A_1059, %dma_start3A_1061, %dma_start3A_1062] : memref<3x32x1024xf32, #tpu.memory_space<vmem>> -> memref<1x32x1024xf32, #tpu.memory_space<vmem>>
    %dma_start3A_1064 = tpu.memref_squeeze %dma_start3A_1063 : memref<1x32x1024xf32, #tpu.memory_space<vmem>> -> memref<32x1024xf32, #tpu.memory_space<vmem>>
    %dma_start3A_1065 = arith.constant 0 : i32
    %dma_start3A_1066 = tpu.memref_slice %arg4[%add3A_1058, %dma_start3A_1065] : memref<16384x1024xf32, #tpu.memory_space<hbm>> -> memref<32x1024xf32, #tpu.memory_space<hbm>>
    %dma_start3A_1067 = tpu.memref_slice %arg7[%dma_start3A_1060] : memref<3x!tpu.dma_semaphore, #tpu.memory_space<semaphore_mem>> -> memref<1x!tpu.dma_semaphore, #tpu.memory_space<semaphore_mem>>
    %dma_start3A_1068 = tpu.memref_squeeze %dma_start3A_1067 : memref<1x!tpu.dma_semaphore, #tpu.memory_space<semaphore_mem>> -> memref<!tpu.dma_semaphore, #tpu.memory_space<semaphore_mem>>
    %dma_start3A_1069 = arith.constant 0 : i32
    %dma_start3A_1070 = tpu.memref_slice %arg4[%add3A_1058, %dma_start3A_1069] : memref<16384x1024xf32, #tpu.memory_space<hbm>> -> memref<32x1024xf32, #tpu.memory_space<hbm>>
    %dma_start3A_1071 = arith.constant 0 : i32
    %dma_start3A_1072 = arith.constant 0 : i32
    %dma_start3A_1073 = tpu.memref_slice %arg5[%dma_start3A_1059, %dma_start3A_1071, %dma_start3A_1072] : memref<3x32x1024xf32, #tpu.memory_space<vmem>> -> memref<1x32x1024xf32, #tpu.memory_space<vmem>>
    %dma_start3A_1074 = tpu.memref_squeeze %dma_start3A_1073 : memref<1x32x1024xf32, #tpu.memory_space<vmem>> -> memref<32x1024xf32, #tpu.memory_space<vmem>>
    tpu.enqueue_dma source(%dma_start3A_1074 : memref<32x1024xf32, #tpu.memory_space<vmem>>) target(%dma_start3A_1070 : memref<32x1024xf32, #tpu.memory_space<hbm>>) target_semaphore(%dma_start3A_1068 : memref<!tpu.dma_semaphore, #tpu.memory_space<semaphore_mem>>)
    %add3A_1075 = arith.constant 480 : i32
    %add3A_1076 = arith.addi %mul3A_2, %add3A_1075 : i32
    %dma_wait3A_1077 = arith.constant 0 : i32
    %dma_wait3A_1078 = arith.constant 0 : i32
    %dma_wait3A_1079 = arith.constant 0 : i32
    %dma_wait3A_1080 = arith.constant 0 : i32
    %dma_wait3A_1081 = tpu.memref_slice %arg5[%dma_wait3A_1077, %dma_wait3A_1079, %dma_wait3A_1080] : memref<3x32x1024xf32, #tpu.memory_space<vmem>> -> memref<1x32x1024xf32, #tpu.memory_space<vmem>>
    %dma_wait3A_1082 = tpu.memref_squeeze %dma_wait3A_1081 : memref<1x32x1024xf32, #tpu.memory_space<vmem>> -> memref<32x1024xf32, #tpu.memory_space<vmem>>
    %dma_wait3A_1083 = arith.constant 0 : i32
    %dma_wait3A_1084 = tpu.memref_slice %arg2[%add3A_1076, %dma_wait3A_1083] : memref<16384x1024xf32, #tpu.memory_space<hbm>> -> memref<32x1024xf32, #tpu.memory_space<hbm>>
    %dma_wait3A_1085 = tpu.memref_slice %arg6[%dma_wait3A_1078] : memref<3x!tpu.dma_semaphore, #tpu.memory_space<semaphore_mem>> -> memref<1x!tpu.dma_semaphore, #tpu.memory_space<semaphore_mem>>
    %dma_wait3A_1086 = tpu.memref_squeeze %dma_wait3A_1085 : memref<1x!tpu.dma_semaphore, #tpu.memory_space<semaphore_mem>> -> memref<!tpu.dma_semaphore, #tpu.memory_space<semaphore_mem>>
    %dma_wait3A_1087 = arith.constant 0 : i32
    %dma_wait3A_1088 = arith.constant 0 : i32
    %dma_wait3A_1089 = tpu.memref_slice %arg5[%dma_wait3A_1077, %dma_wait3A_1087, %dma_wait3A_1088] : memref<3x32x1024xf32, #tpu.memory_space<vmem>> -> memref<1x32x1024xf32, #tpu.memory_space<vmem>>
    %dma_wait3A_1090 = tpu.memref_squeeze %dma_wait3A_1089 : memref<1x32x1024xf32, #tpu.memory_space<vmem>> -> memref<32x1024xf32, #tpu.memory_space<vmem>>
    %dma_wait3A_1091 = arith.constant 0 : i32
    %dma_wait3A_1092 = tpu.memref_slice %arg2[%add3A_1076, %dma_wait3A_1091] : memref<16384x1024xf32, #tpu.memory_space<hbm>> -> memref<32x1024xf32, #tpu.memory_space<hbm>>
    tpu.wait_dma2 semaphore(%dma_wait3A_1086 : memref<!tpu.dma_semaphore, #tpu.memory_space<semaphore_mem>>) src(%dma_wait3A_1092 : memref<32x1024xf32, #tpu.memory_space<hbm>>) dst(%dma_wait3A_1090 : memref<32x1024xf32, #tpu.memory_space<vmem>>)
    %add3A_1093 = arith.constant 480 : i32
    %add3A_1094 = arith.addi %mul3A_2, %add3A_1093 : i32
    %dma_start3A_1095 = arith.constant 0 : i32
    %dma_start3A_1096 = arith.constant 0 : i32
    %dma_start3A_1097 = arith.constant 0 : i32
    %dma_start3A_1098 = arith.constant 0 : i32
    %dma_start3A_1099 = tpu.memref_slice %arg5[%dma_start3A_1095, %dma_start3A_1097, %dma_start3A_1098] : memref<3x32x1024xf32, #tpu.memory_space<vmem>> -> memref<1x32x1024xf32, #tpu.memory_space<vmem>>
    %dma_start3A_1100 = tpu.memref_squeeze %dma_start3A_1099 : memref<1x32x1024xf32, #tpu.memory_space<vmem>> -> memref<32x1024xf32, #tpu.memory_space<vmem>>
    %dma_start3A_1101 = arith.constant 0 : i32
    %dma_start3A_1102 = tpu.memref_slice %arg4[%add3A_1094, %dma_start3A_1101] : memref<16384x1024xf32, #tpu.memory_space<hbm>> -> memref<32x1024xf32, #tpu.memory_space<hbm>>
    %dma_start3A_1103 = tpu.memref_slice %arg7[%dma_start3A_1096] : memref<3x!tpu.dma_semaphore, #tpu.memory_space<semaphore_mem>> -> memref<1x!tpu.dma_semaphore, #tpu.memory_space<semaphore_mem>>
    %dma_start3A_1104 = tpu.memref_squeeze %dma_start3A_1103 : memref<1x!tpu.dma_semaphore, #tpu.memory_space<semaphore_mem>> -> memref<!tpu.dma_semaphore, #tpu.memory_space<semaphore_mem>>
    %dma_start3A_1105 = arith.constant 0 : i32
    %dma_start3A_1106 = tpu.memref_slice %arg4[%add3A_1094, %dma_start3A_1105] : memref<16384x1024xf32, #tpu.memory_space<hbm>> -> memref<32x1024xf32, #tpu.memory_space<hbm>>
    %dma_start3A_1107 = arith.constant 0 : i32
    %dma_start3A_1108 = arith.constant 0 : i32
    %dma_start3A_1109 = tpu.memref_slice %arg5[%dma_start3A_1095, %dma_start3A_1107, %dma_start3A_1108] : memref<3x32x1024xf32, #tpu.memory_space<vmem>> -> memref<1x32x1024xf32, #tpu.memory_space<vmem>>
    %dma_start3A_1110 = tpu.memref_squeeze %dma_start3A_1109 : memref<1x32x1024xf32, #tpu.memory_space<vmem>> -> memref<32x1024xf32, #tpu.memory_space<vmem>>
    tpu.enqueue_dma source(%dma_start3A_1110 : memref<32x1024xf32, #tpu.memory_space<vmem>>) target(%dma_start3A_1106 : memref<32x1024xf32, #tpu.memory_space<hbm>>) target_semaphore(%dma_start3A_1104 : memref<!tpu.dma_semaphore, #tpu.memory_space<semaphore_mem>>)
    %add3A_1111 = arith.constant 416 : i32
    %add3A_1112 = arith.addi %mul3A_2, %add3A_1111 : i32
    %dma_wait3A_1113 = arith.constant 1 : i32
    %dma_wait3A_1114 = arith.constant 1 : i32
    %dma_wait3A_1115 = arith.constant 0 : i32
    %dma_wait3A_1116 = arith.constant 0 : i32
    %dma_wait3A_1117 = tpu.memref_slice %arg5[%dma_wait3A_1113, %dma_wait3A_1115, %dma_wait3A_1116] : memref<3x32x1024xf32, #tpu.memory_space<vmem>> -> memref<1x32x1024xf32, #tpu.memory_space<vmem>>
    %dma_wait3A_1118 = tpu.memref_squeeze %dma_wait3A_1117 : memref<1x32x1024xf32, #tpu.memory_space<vmem>> -> memref<32x1024xf32, #tpu.memory_space<vmem>>
    %dma_wait3A_1119 = arith.constant 0 : i32
    %dma_wait3A_1120 = tpu.memref_slice %arg4[%add3A_1112, %dma_wait3A_1119] : memref<16384x1024xf32, #tpu.memory_space<hbm>> -> memref<32x1024xf32, #tpu.memory_space<hbm>>
    %dma_wait3A_1121 = tpu.memref_slice %arg7[%dma_wait3A_1114] : memref<3x!tpu.dma_semaphore, #tpu.memory_space<semaphore_mem>> -> memref<1x!tpu.dma_semaphore, #tpu.memory_space<semaphore_mem>>
    %dma_wait3A_1122 = tpu.memref_squeeze %dma_wait3A_1121 : memref<1x!tpu.dma_semaphore, #tpu.memory_space<semaphore_mem>> -> memref<!tpu.dma_semaphore, #tpu.memory_space<semaphore_mem>>
    %dma_wait3A_1123 = arith.constant 0 : i32
    %dma_wait3A_1124 = tpu.memref_slice %arg4[%add3A_1112, %dma_wait3A_1123] : memref<16384x1024xf32, #tpu.memory_space<hbm>> -> memref<32x1024xf32, #tpu.memory_space<hbm>>
    %dma_wait3A_1125 = arith.constant 0 : i32
    %dma_wait3A_1126 = arith.constant 0 : i32
    %dma_wait3A_1127 = tpu.memref_slice %arg5[%dma_wait3A_1113, %dma_wait3A_1125, %dma_wait3A_1126] : memref<3x32x1024xf32, #tpu.memory_space<vmem>> -> memref<1x32x1024xf32, #tpu.memory_space<vmem>>
    %dma_wait3A_1128 = tpu.memref_squeeze %dma_wait3A_1127 : memref<1x32x1024xf32, #tpu.memory_space<vmem>> -> memref<32x1024xf32, #tpu.memory_space<vmem>>
    tpu.wait_dma2 semaphore(%dma_wait3A_1122 : memref<!tpu.dma_semaphore, #tpu.memory_space<semaphore_mem>>) src(%dma_wait3A_1128 : memref<32x1024xf32, #tpu.memory_space<vmem>>) dst(%dma_wait3A_1124 : memref<32x1024xf32, #tpu.memory_space<hbm>>)
    %add3A_1129 = arith.constant 448 : i32
    %add3A_1130 = arith.addi %mul3A_2, %add3A_1129 : i32
    %dma_wait3A_1131 = arith.constant 2 : i32
    %dma_wait3A_1132 = arith.constant 2 : i32
    %dma_wait3A_1133 = arith.constant 0 : i32
    %dma_wait3A_1134 = arith.constant 0 : i32
    %dma_wait3A_1135 = tpu.memref_slice %arg5[%dma_wait3A_1131, %dma_wait3A_1133, %dma_wait3A_1134] : memref<3x32x1024xf32, #tpu.memory_space<vmem>> -> memref<1x32x1024xf32, #tpu.memory_space<vmem>>
    %dma_wait3A_1136 = tpu.memref_squeeze %dma_wait3A_1135 : memref<1x32x1024xf32, #tpu.memory_space<vmem>> -> memref<32x1024xf32, #tpu.memory_space<vmem>>
    %dma_wait3A_1137 = arith.constant 0 : i32
    %dma_wait3A_1138 = tpu.memref_slice %arg4[%add3A_1130, %dma_wait3A_1137] : memref<16384x1024xf32, #tpu.memory_space<hbm>> -> memref<32x1024xf32, #tpu.memory_space<hbm>>
    %dma_wait3A_1139 = tpu.memref_slice %arg7[%dma_wait3A_1132] : memref<3x!tpu.dma_semaphore, #tpu.memory_space<semaphore_mem>> -> memref<1x!tpu.dma_semaphore, #tpu.memory_space<semaphore_mem>>
    %dma_wait3A_1140 = tpu.memref_squeeze %dma_wait3A_1139 : memref<1x!tpu.dma_semaphore, #tpu.memory_space<semaphore_mem>> -> memref<!tpu.dma_semaphore, #tpu.memory_space<semaphore_mem>>
    %dma_wait3A_1141 = arith.constant 0 : i32
    %dma_wait3A_1142 = tpu.memref_slice %arg4[%add3A_1130, %dma_wait3A_1141] : memref<16384x1024xf32, #tpu.memory_space<hbm>> -> memref<32x1024xf32, #tpu.memory_space<hbm>>
    %dma_wait3A_1143 = arith.constant 0 : i32
    %dma_wait3A_1144 = arith.constant 0 : i32
    %dma_wait3A_1145 = tpu.memref_slice %arg5[%dma_wait3A_1131, %dma_wait3A_1143, %dma_wait3A_1144] : memref<3x32x1024xf32, #tpu.memory_space<vmem>> -> memref<1x32x1024xf32, #tpu.memory_space<vmem>>
    %dma_wait3A_1146 = tpu.memref_squeeze %dma_wait3A_1145 : memref<1x32x1024xf32, #tpu.memory_space<vmem>> -> memref<32x1024xf32, #tpu.memory_space<vmem>>
    tpu.wait_dma2 semaphore(%dma_wait3A_1140 : memref<!tpu.dma_semaphore, #tpu.memory_space<semaphore_mem>>) src(%dma_wait3A_1146 : memref<32x1024xf32, #tpu.memory_space<vmem>>) dst(%dma_wait3A_1142 : memref<32x1024xf32, #tpu.memory_space<hbm>>)
    %add3A_1147 = arith.constant 480 : i32
    %add3A_1148 = arith.addi %mul3A_2, %add3A_1147 : i32
    %dma_wait3A_1149 = arith.constant 0 : i32
    %dma_wait3A_1150 = arith.constant 0 : i32
    %dma_wait3A_1151 = arith.constant 0 : i32
    %dma_wait3A_1152 = arith.constant 0 : i32
    %dma_wait3A_1153 = tpu.memref_slice %arg5[%dma_wait3A_1149, %dma_wait3A_1151, %dma_wait3A_1152] : memref<3x32x1024xf32, #tpu.memory_space<vmem>> -> memref<1x32x1024xf32, #tpu.memory_space<vmem>>
    %dma_wait3A_1154 = tpu.memref_squeeze %dma_wait3A_1153 : memref<1x32x1024xf32, #tpu.memory_space<vmem>> -> memref<32x1024xf32, #tpu.memory_space<vmem>>
    %dma_wait3A_1155 = arith.constant 0 : i32
    %dma_wait3A_1156 = tpu.memref_slice %arg4[%add3A_1148, %dma_wait3A_1155] : memref<16384x1024xf32, #tpu.memory_space<hbm>> -> memref<32x1024xf32, #tpu.memory_space<hbm>>
    %dma_wait3A_1157 = tpu.memref_slice %arg7[%dma_wait3A_1150] : memref<3x!tpu.dma_semaphore, #tpu.memory_space<semaphore_mem>> -> memref<1x!tpu.dma_semaphore, #tpu.memory_space<semaphore_mem>>
    %dma_wait3A_1158 = tpu.memref_squeeze %dma_wait3A_1157 : memref<1x!tpu.dma_semaphore, #tpu.memory_space<semaphore_mem>> -> memref<!tpu.dma_semaphore, #tpu.memory_space<semaphore_mem>>
    %dma_wait3A_1159 = arith.constant 0 : i32
    %dma_wait3A_1160 = tpu.memref_slice %arg4[%add3A_1148, %dma_wait3A_1159] : memref<16384x1024xf32, #tpu.memory_space<hbm>> -> memref<32x1024xf32, #tpu.memory_space<hbm>>
    %dma_wait3A_1161 = arith.constant 0 : i32
    %dma_wait3A_1162 = arith.constant 0 : i32
    %dma_wait3A_1163 = tpu.memref_slice %arg5[%dma_wait3A_1149, %dma_wait3A_1161, %dma_wait3A_1162] : memref<3x32x1024xf32, #tpu.memory_space<vmem>> -> memref<1x32x1024xf32, #tpu.memory_space<vmem>>
    %dma_wait3A_1164 = tpu.memref_squeeze %dma_wait3A_1163 : memref<1x32x1024xf32, #tpu.memory_space<vmem>> -> memref<32x1024xf32, #tpu.memory_space<vmem>>
    tpu.wait_dma2 semaphore(%dma_wait3A_1158 : memref<!tpu.dma_semaphore, #tpu.memory_space<semaphore_mem>>) src(%dma_wait3A_1164 : memref<32x1024xf32, #tpu.memory_space<vmem>>) dst(%dma_wait3A_1160 : memref<32x1024xf32, #tpu.memory_space<hbm>>)
    return
  }
}

</mosaic_0001>

<sc_bundles>
// kernel: _run.3.cloned.1.call-start
scs
__scs_entry_jumppad:
0x0: {  	(pc) =	sbr.rel $0x88, $3  }
0x1: {  	(tag) =	ssettag $0x0;
	lr =	simm.s32 $0x1  }
0x2: {  	[smem:$0x3F9F] =	sst lr;
	_ =	strace $0xD0000000  }
0x3: {  	_ = 	snop  }
0x4: {  	_ = 	snop  }
0x5: {  	_ = 	snop  }
0x6: {  	_ = 	snop  }
0x7: {  	_ = 	snop  }
__scs_overlays_trampoline_lowered:
0x8: {  	[smem:$0x3FAE] =	sst s0  }
0x9: {  	[smem:$0x3FAF] =	sst s1  }
0xa: {  	[smem:$0x3FB0] =	sst s2  }
0xb: {  	[smem:$0x3FB1] =	sst s3  }
0xc: {  	[smem:$0x3FB2] =	sst s4  }
0xd: {  	[smem:$0x3FB3] =	sst s5  }
0xe: {  	[smem:$0x3FB4] =	sst s6  }
0xf: {  	[smem:$0x3FB5] =	sst s7  }
0x10: {  	[smem:$0x3FB6] =	sst s8  }
0x11: {  	[smem:$0x3FB7] =	sst s9;
	s0 =	simm.s32 @!p0 $0x0  }
0x12: {  	s1 =	sld [smem:$0x3F9D];
	s0 =	simm.s32 @p0 $0x1  }
0x13: {  	[smem:$0x3FB8] =	sst s0;
	s0 =	simm.s32 @!p1 $0x0  }
0x14: {  	s2 =	sld [smem:$0x3F9C];
	s0 =	simm.s32 @p1 $0x1  }
0x15: {  	[smem:$0x3FB9] =	sst s0;
	s0 =	simm.s32 @!p2 $0x0  }
0x16: {  	s3 =	sld [smem:$0x3FDB];
	s0 =	simm.s32 @p2 $0x1  }
0x17: {  	s4 =	simm.s32 $0x1BF5;
	[smem:$0x3FBB] =	sst s0  }
0x18: {  	s0 =	sld [smem:$0x3F9E];
	_ =	swait.ge [sflag:s4], $0x0  }
0x19: {  	s7 =	sld [smem:$0x3F9F]  }
0x1a: {  	s8 =	sadd.s32 $0xFFFFE003, lr  }
0x1b: {  	s9 =	sadd.s32 $0xFFFFFEF7, lr;
	s5 =	simm.s32 $0xFFFFFFFF;
	p2 =	slt.u32 s8, $0xFFFFF086  }
0x1c: {  	p1 =	slt.u32 s9, $0xF7A;
	s5 =	simm.s32 @!p2 $0x0  }
0x1d: {  	s5 =	simm.s32 @p1 $0x1;
	p0 =	seq.s32 s7, s2  }
0x1e: {  	s7 =	smul.u32 @!p0 $0xF7A, s2;
	p2 =	seq.s32 @!p0 s5, $0x0  }
0x1f: {  	s9 =	smul.u32 $0xF7A, s1;
	s8 =	simm.s32 @!p0 $0x1BF5;
	p2 =	por !p2, p0  }
0x20: {  	[sflag:s8] =	ssyncset.s32 @!p0 $0xFFFFF086;
	s6 =	sadd.s32 @!p0 s3, s7;
	s7 =	simm.s32 @!p0 $0x108  }
0x21: {  	s3 =	sadd.s32 s3, s9;
	s6 =	sadd.s32 @!p0 $0x88, s6;
	s7 =	simm.s32 @p2 $0x1082  }
0x22: {  	[simem:s7], [sflag:s8] =	dma.local @!p0 [hbm:s6], $0xF7A  }
0x23: {  	s9 =	sor.u32 $0xD0000000, s2;
	s6 =	simm.s32 $0x108;
	_ =	swait.ge @!p0 [sflag:s8], $0x0  }
0x24: {  	s3 =	sadd.s32 $0x88, s3;
	s6 =	simm.s32 @!p1 $0x1082;
	[sflag:s4] =	ssyncset.s32 $0xFFFFF086  }
0x25: {  	[simem:s6], [sflag:s4] =	dma.local [hbm:s3], $0xF7A  }
0x26: {  	[smem:$0x3F9F] =	sst s1;
	(tag) =	ssettag s2;
	_ =	strace s9  }
0x27: {  	s1 =	sld [smem:$0x3FAF]  }
0x28: {  	s2 =	sld [smem:$0x3FB0]  }
0x29: {  	s4 =	sld [smem:$0x3FB2]  }
0x2a: {  	p0 =	seq.s32 s5, $0x0;
	s5 =	sld [smem:$0x3FB3]  }
0x2b: {  	s6 =	sld [smem:$0x3FB4]  }
0x2c: {  	s7 =	sld [smem:$0x3FB5]  }
0x2d: {  	s3 =	simm.s32 $0x108;
	s8 =	sld [smem:$0x3FB6]  }
0x2e: {  	s3 =	simm.s32 @!p0 $0x1082;
	s9 =	sld [smem:$0x3FB7]  }
0x2f: {  	lr =	sadd.s32 s0, s3;
	s0 =	sld [smem:$0x3FAE]  }
0x30: {  	s3 =	sld [smem:$0x3FB1]  }
0x31: {  	[smem:$0x3FBA] =	sst s10  }
0x32: {  	s10 =	sld [smem:$0x3FB8];
	_ =	sdelay $0x3  }
0x33: {  	p0 =	seq.s32 s10, $0x1;
	s10 =	sld [smem:$0x3FBA];
	_ =	sdelay $0x3  }
0x34: {  	[smem:$0x3FBA] =	sst s10  }
0x35: {  	s10 =	sld [smem:$0x3FB9];
	_ =	sdelay $0x3  }
0x36: {  	p1 =	seq.s32 s10, $0x1;
	s10 =	sld [smem:$0x3FBA];
	_ =	sdelay $0x3  }
0x37: {  	[smem:$0x3FBA] =	sst s10  }
0x38: {  	s10 =	sld [smem:$0x3FBB]  }
0x39: {  	_ = 	snop;
	(pc) =	sbr.ind lr, $3  }
0x3a: {  	_ = 	snop  }
0x3b: {  	_ = 	snop  }
0x3c: {  	p2 =	seq.s32 s10, $0x1;
	s10 =	sld [smem:$0x3FBA]  }
0x3d: {  	_ =	shalt  }
0x3e: {  	_ =	shalt  }
0x3f: {  	_ =	shalt  }
0x40: {  	_ =	shalt  }
0x41: {  	_ =	shalt  }
0x42: {  	_ =	shalt  }
0x43: {  	_ =	shalt  }
0x44: {  	_ =	shalt  }
0x45: {  	_ =	shalt  }
0x46: {  	_ =	shalt  }
0x47: {  	_ =	shalt  }
0x48: {  	_ =	shalt  }
0x49: {  	_ =	shalt  }
0x4a: {  	_ =	shalt  }
0x4b: {  	_ =	shalt  }
0x4c: {  	_ =	shalt  }
0x4d: {  	_ =	shalt  }
0x4e: {  	_ =	shalt  }
0x4f: {  	_ =	shalt  }
0x50: {  	_ =	shalt  }
0x51: {  	_ =	shalt  }
0x52: {  	_ =	shalt  }
0x53: {  	_ =	shalt  }
0x54: {  	_ =	shalt  }
0x55: {  	_ =	shalt  }
0x56: {  	_ =	shalt  }
0x57: {  	_ =	shalt  }
0x58: {  	_ =	shalt  }
0x59: {  	_ =	shalt  }
0x5a: {  	_ =	shalt  }
0x5b: {  	_ =	shalt  }
0x5c: {  	_ =	shalt  }
0x5d: {  	_ =	shalt  }
0x5e: {  	_ =	shalt  }
0x5f: {  	_ =	shalt  }
0x60: {  	_ =	shalt  }
0x61: {  	_ =	shalt  }
0x62: {  	_ =	shalt  }
0x63: {  	_ =	shalt  }
0x64: {  	_ =	shalt  }
0x65: {  	_ =	shalt  }
0x66: {  	_ =	shalt  }
0x67: {  	_ =	shalt  }
0x68: {  	_ =	shalt  }
0x69: {  	_ =	shalt  }
0x6a: {  	_ =	shalt  }
0x6b: {  	_ =	shalt  }
0x6c: {  	_ =	shalt  }
0x6d: {  	_ =	shalt  }
0x6e: {  	_ =	shalt  }
0x6f: {  	_ =	shalt  }
0x70: {  	_ =	shalt  }
0x71: {  	_ =	shalt  }
0x72: {  	_ =	shalt  }
0x73: {  	_ =	shalt  }
0x74: {  	_ =	shalt  }
0x75: {  	_ =	shalt  }
0x76: {  	_ =	shalt  }
0x77: {  	_ =	shalt  }
0x78: {  	_ =	shalt  }
0x79: {  	_ =	shalt  }
0x7a: {  	_ =	shalt  }
0x7b: {  	_ =	shalt  }
0x7c: {  	_ =	shalt  }
0x7d: {  	_ =	shalt  }
0x7e: {  	_ =	shalt  }
0x7f: {  	_ =	shalt  }
0x80: {  	_ =	shalt  }
0x81: {  	_ =	shalt  }
0x82: {  	_ =	shalt  }
0x83: {  	_ =	shalt  }
0x84: {  	_ =	shalt  }
0x85: {  	_ =	shalt  }
0x86: {  	_ =	shalt  }
0x87: {  	_ =	shalt  }
.Lfunc_end0:
.L_simem_size_0:
called_computation_lowered:
.L_overlay_start_0:
0x88: {  	s2 =	sld [smem:$0x3FD9]  }
0x89: {  	s3 =	sld [smem:$0x3FFE];
	_ =	sdelay $0x1  }
0x8a: {  	s1 =	srdreg.scid  }
0x8b: {  	s0 =	sand.u32 $0x1, s1  }
0x8c: {  	s18 =	sshll.u32 s0, $0xA;
	s2 =	sadd.s32 s3, s2  }
0x8d: {  	s2 =	sadd.s32 s2, s18  }
0x8e: {  	[smem:$0x3FC6] =	sst s2  }
0x8f: {  	_ = 	snop  }
0x90: {  	s2 =	sld [smem:$0x3FC9]  }
0x91: {  	s19 =	sld [smem:$0x3FC8]  }
0x92: {  	s4 =	sld [smem:$0x3FD0];
	(tm) =	ssettm $0x1  }
0x93: {  	s5 =	sld [smem:$0x3FFB];
	_ =	sdelay $0x3  }
0x94: {  	_ =	strace s5  }
0x95: {  	s5 =	sld [smem:$0x3FFC];
	_ =	sdelay $0x3  }
0x96: {  	_ =	strace s5  }
0x97: {  	s5 =	sld [smem:$0x3FFD];
	_ =	sdelay $0x3  }
0x98: {  	_ =	strace s5  }
0x99: {  	_ =	strace $0x8FFFFFFF  }
0x9a: {  	s20 =	sld [smem:$0x3FDB];
	_ =	sdelay $0x1  }
0x9b: {  	s6 =	simm.s32 $_scs_section_size  }
0x9c: {  	s7 =	simm.s32 $_size__tile_overlayer_lowered;
	s8 =	simm.s32 $_tile_overlayer_lowered  }
0x9d: {  	s23 =	simm.s32 $0x1BFF;
	s22 =	sshll.u32 s8, $0x1;
	s5 =	sadd.s32 s6, s20  }
0x9e: {  	s9 =	simm.s32 $0x0;
	s21 =	sshll.u32 s7, $0x1;
	s7 =	sadd.s32 s22, s5  }
0x9f: {  	[timem:s9], [sflag:s23] =	dma.local [hbm:s7], s21  }
0xa0: {  	_ =	swait.ge [sflag:s23], s21  }
0xa1: {  	s6 =	ssub.s32 $0x0, s21;
	[sflag:s23] =	ssyncset.done $0x0  }
0xa2: {  	[sflag:s23] =	ssyncadd.s32 s6;
	_ =	sdelay $0x1  }
0xa3: {  	s24 =	simm.s32 $0x1B8B  }
0xa4: {  	_ =	swait.ge [sflag:s24], $0x1  }
0xa5: {  	[sflag:s24] =	ssyncset.done $0x0  }
0xa6: {  	s25 =	simm.s32 $0x1B8E;
	[sflag:s24] =	ssyncadd.s32 $0xFFFFFFFF  }
0xa7: {  	s26 =	simm.s32 $execute0_lowered;
	[smem:$0x3FD2] =	sst s25  }
0xa8: {  	s6 =	sshll.u32 s26, $0x1;
	_ =	strace $0x80000046;
	[dreg:$0x1] =	wrdreg $0xFFFFFFFF  }
0xa9: {  	s28 =	simm.s32 $_size_execute0_lowered;
	s5 =	sadd.s32 s5, s6;
	[dreg:$0x0] =	wrdreg $0x0  }
0xaa: {  	s6 =	sshll.u32 s28, $0x1;
	[dreg:$0x2] =	wrdreg s5  }
0xab: {  	[dreg:$0x3] =	wrdreg s6  }
0xac: {  	[dreg:$0x4] =	wrdreg $0xC0  }
0xad: {  	_ =	task [dreg:s9], $0x5FFFF  }
0xae: {  	[dreg:$0x1] =	wrdreg $0xFFFFFFFF  }
0xaf: {  	[dreg:$0x0] =	wrdreg $0x60  }
0xb0: {  	[dreg:$0x2] =	wrdreg s2  }
0xb1: {  	[dreg:$0x3] =	wrdreg s19  }
0xb2: {  	[dreg:$0x4] =	wrdreg s4  }
0xb3: {  	[dreg:$0x5] =	wrdreg $0x9  }
0xb4: {  	_ =	task.clear_ibuf [dreg:s9], $0x6FFFF;
	_ =	strace $0x90000046  }
0xb5: {  	s29 =	simm.s32 $0x9;
	_ =	strace $0x80000048  }
0xb6: {  	_ =	swait.ge [sflag:s29], $0x1  }
0xb7: {  	[sflag:s29] =	ssyncadd.s32 $0xFFFFFFFF  }
0xb8: {  	_ =	strace $0x90000048  }
0xb9: {  	_ =	sfence  }
0xba: {  	s30 =	sld [smem:$0x0];
	_ =	sdelay $0x2  }
0xbb: {  	s31 =	sshll.u32 s1, $0xD;
	s1 =	sshrl.u32 s1, $0x2  }
0xbc: {  	s3 =	sand.u32 $0x4000, s31;
	s1 =	sadd.s32 s1, s30  }
0xbd: {  	s0 =	sor.u32 s3, s0;
	s1 =	sshll.u32 s1, $0x11  }
0xbe: {  	s0 =	sor.u32 s1, s0  }
0xbf: {  	s0 =	sadd.s32 $0x8F2B, s0  }
0xc0: {  	[sflag:s0] =	ssyncadd.remote.s32 $0x1  }
0xc1: {  	_ =	sfence.sel $0xFFFF  }
0xc2: {  	[dreg:$0x0] =	wrdreg $0xFFFFFFFF;
	(pc) =	sbr.abs _section_cstart, $3  }
0xc3: {  	[dreg:$0x1] =	wrdreg $0xFFFFFFFF  }
0xc4: {  	_ =	task.clear_ibuf [dreg:s9], $0x2FFFF;
	_ =	strace $0x9FFFFFFF  }
0xc5: {  	(tm) =	ssettm $0x7FFFFFFF  }
tec
execute0_lowered:
.L_overlay_start_1:
0x0: {  	(tag) =	ssettag $0x1  }
0x1: {  	s1 =	srdreg.scid  }
0x2: {  	s0 =	rddreg [dreg:$0x0];
	s23 =	stileid.u32;
	s5 =	sand.u32 $0x1, s1  }
0x3: {  	s25 =	rddreg [dreg:$0x1];
	s3 =	sshll.u32 s23, $0xA;
	s4 =	sshll.u32 s5, $0x9  }
0x4: {  	s24 =	rddreg [dreg:$0x3];
	s2 =	simm.s32 $0x0;
	s4 =	sor.u32 s4, s3  }
0x5: {  	[smem:$0x7FF] =	sst s2;
	s3 =	sshll.u32 s4, $0x7  }
0x6: {  	s1 =	rddreg [dreg:$0x2];
	_ =	strace $0x80000047;
	s6 =	sadd.s32 s0, s3  }
0x7: {  	s7 =	sor.u32 $0x1000, s3;
	s31 =	sadd.s32 s1, s3;
	[dreg:$0x4] =	wrdreg s6  }
0x8: {  	s8 =	sor.u32 $0x2000, s3;
	s30 =	sadd.s32 s0, s7;
	[dreg:$0x6] =	wrdreg s31  }
0x9: {  	s9 =	sadd.s32 s0, s8;
	[dreg:$0x5] =	wrdreg s30  }
0xa: {  	s11 =	sor.u32 $0x3000, s3;
	s10 =	sadd.s32 s1, s7;
	[dreg:$0x7] =	wrdreg s9  }
0xb: {  	s12 =	sadd.s32 s0, s11;
	[dreg:$0x8] =	wrdreg s10  }
0xc: {  	s14 =	sor.u32 $0x4000, s3;
	s13 =	sadd.s32 s1, s8;
	[dreg:$0x9] =	wrdreg s12  }
0xd: {  	s15 =	sadd.s32 s0, s14;
	[dreg:$0xa] =	wrdreg s13  }
0xe: {  	s17 =	sor.u32 $0x5000, s3;
	s16 =	sadd.s32 s1, s11;
	[dreg:$0xb] =	wrdreg s15  }
0xf: {  	s18 =	sadd.s32 s0, s17;
	[dreg:$0xc] =	wrdreg s16  }
0x10: {  	s20 =	sor.u32 $0x6000, s3;
	s19 =	sadd.s32 s1, s14;
	[dreg:$0xd] =	wrdreg s18  }
0x11: {  	s21 =	sadd.s32 s0, s20;
	[dreg:$0xe] =	wrdreg s19  }
0x12: {  	s26 =	sor.u32 $0x7000, s3;
	s22 =	sadd.s32 s1, s17;
	[dreg:$0xf] =	wrdreg s21  }
0x13: {  	p1 =	por $0x0, $0x0;
	s28 =	sadd.s32 s0, s26;
	[dreg:$0x10] =	wrdreg s22  }
0x14: {  	s5 =	ssub.s32 $0x2, s5;
	s29 =	sadd.s32 s1, s20;
	[dreg:$0x11] =	wrdreg s28  }
0x15: {  	s7 =	sadd.s32 s1, s26;
	s8 =	simm.s32 $0x1;
	[dreg:$0x12] =	wrdreg s29  }
0x16: {  	s30 =	sor.u32 $0x8000, s3;
	s9 =	sor.u32 $0x9000, s3;
	[dreg:$0x14] =	wrdreg s7  }
0x17: {  	s12 =	sor.u32 $0xA000, s3;
	s15 =	sor.u32 $0xB000, s3;
	s18 =	sor.u32 $0xC000, s3  }
0x18: {  	s21 =	sor.u32 $0xD000, s3;
	s28 =	sor.u32 $0xE000, s3;
	s29 =	sand.u32 $0xE00, s4  }
0x19: {  	s3 =	sor.u32 $0xF000, s3;
	s31 =	sadd.s32 s0, s30;
	s10 =	sadd.s32 s0, s9  }
0x1a: {  	s16 =	sadd.s32 s0, s15;
	s20 =	sadd.s32 s1, s15;
	s15 =	rddreg [dreg:$0x4]  }
0x1b: {  	s11 =	sadd.s32 s1, s30;
	s13 =	sadd.s32 s0, s12;
	[dreg:$0x13] =	wrdreg s31  }
0x1c: {  	s14 =	sadd.s32 s1, s9;
	s17 =	sadd.s32 s1, s12;
	[dreg:$0x15] =	wrdreg s10  }
0x1d: {  	s9 =	sshrl.u32 s5, $0x1;
	s19 =	sadd.s32 s0, s18;
	[dreg:$0x16] =	wrdreg s11  }
0x1e: {  	s22 =	sadd.s32 s0, s21;
	s26 =	sadd.s32 s1, s18;
	[dreg:$0x17] =	wrdreg s13  }
0x1f: {  	s30 =	sadd.s32 s0, s28;
	s7 =	sadd.s32 s1, s21;
	[dreg:$0x18] =	wrdreg s14  }
0x20: {  	s6 =	sadd.s32 s0, s3;
	s4 =	sadd.s32 s1, s28;
	[dreg:$0x19] =	wrdreg s16  }
0x21: {  	s3 =	sadd.s32 s1, s3;
	[dreg:$0x1a] =	wrdreg s17;
	s5 =	ssub.s32 s5, s9  }
0x22: {  	s21 =	sadd.s32 $0x20, s25;
	[dreg:$0x1b] =	wrdreg s19;
	s31 =	smax.u32 s5, $0x1  }
0x23: {  	s18 =	sadd.s32 $0x50, s25;
	[dreg:$0x1c] =	wrdreg s20;
	s0 =	sadd.s32 $0xFFFFFFFF, s31  }
0x24: {  	p0 =	sne.s32 s29, $0x0;
	[dreg:$0x1d] =	wrdreg s22;
	p2 =	sne.s32 s0, $0x0  }
.Ltmp0:
0x25: {  	s12 =	simm.s32 $0x3;
	[dreg:$0x1e] =	wrdreg s26;
	(pc) =	sbr.rel @!p2 .LBB2_5-.Ltmp0, $4  }
0x26: {  	[dreg:$0x1f] =	wrdreg s30;
	s22 =	sadd.s32 $0x10, s25;
	s20 =	sadd.s32 $0x30, s25  }
0x27: {  	s19 =	sadd.s32 $0x40, s25;
	s17 =	sadd.s32 $0x60, s25;
	s16 =	sadd.s32 $0x70, s25  }
0x28: {  	s13 =	simm.s32 $0x8000;
	s11 =	simm.s32 $0x10000;
	s14 =	simm.s32 $0x2  }
0x29: {  	s10 =	simm.s32 $0x5;
	s9 =	simm.s32 $0x6;
	s5 =	simm.s32 $0x4  }
0x2a: {  	[tilespmem:s2], [sflag:$0x1] =	stream.linear.gather [hbm4b:s15+s2], $0x8000, $0x38;
	[tilespmem:$0x18000] =	vst v63  }
0x2b: {  	s1 =	rddreg [dreg:$0x5]  }
0x2c: {  	[tilespmem:s13], [sflag:$0x2] =	stream.linear.gather [hbm4b:s1+s2], $0x8000, $0x38;
	[tilespmem:$0x18000] =	vst v63  }
0x2d: {  	_ =	swait.ge [sflag:s8], $0x8000  }
0x2e: {  	[sflag:s8] =	ssyncset.done $0x0  }
0x2f: {  	s23 =	simm.s32 @!p0 $0x0;
	[sflag:s8] =	ssyncadd.s32 $0xFFFF8000  }
0x30: {  	[tilespmem:s23], [sflag:$0x7] =	stream.linear.gather @!p0 [hbm4b:s25+s23], $0x80, $0x38;
	[tilespmem:$0x18000] =	vst v63  }
0x31: {  	s24 =	smov.u32 s0;
	s0 =	simm.s32 @!p0 $0x400  }
0x32: {  	[tilespmem:s0], [sflag:$0x7] =	stream.linear.gather @!p0 [hbm4b:s22+s23], $0x80, $0x38;
	[tilespmem:$0x18000] =	vst v63  }
0x33: {  	s0 =	simm.s32 @!p0 $0x800  }
0x34: {  	[tilespmem:s0], [sflag:$0x7] =	stream.linear.gather @!p0 [hbm4b:s21+s23], $0x80, $0x38;
	[tilespmem:$0x18000] =	vst v63  }
0x35: {  	s26 =	simm.s32 @!p0 $0xC00  }
0x36: {  	[tilespmem:s26], [sflag:$0x7] =	stream.linear.gather @!p0 [hbm4b:s20+s23], $0x80, $0x38;
	[tilespmem:$0x18000] =	vst v63  }
0x37: {  	s28 =	simm.s32 @!p0 $0x1000  }
0x38: {  	[tilespmem:s28], [sflag:$0x7] =	stream.linear.gather @!p0 [hbm4b:s19+s23], $0x80, $0x38;
	[tilespmem:$0x18000] =	vst v63  }
0x39: {  	s29 =	simm.s32 @!p0 $0x1400  }
0x3a: {  	[tilespmem:s29], [sflag:$0x7] =	stream.linear.gather @!p0 [hbm4b:s18+s23], $0x80, $0x38;
	[tilespmem:$0x18000] =	vst v63  }
0x3b: {  	s30 =	simm.s32 @!p0 $0x1800  }
0x3c: {  	[tilespmem:s30], [sflag:$0x7] =	stream.linear.gather @!p0 [hbm4b:s17+s23], $0x80, $0x38;
	[tilespmem:$0x18000] =	vst v63  }
0x3d: {  	s31 =	simm.s32 @!p0 $0x1C00;
	s1 =	simm.s32 @!p0 $0x7  }
0x3e: {  	[tilespmem:s31], [sflag:$0x7] =	stream.linear.gather @!p0 [hbm4b:s16+s23], $0x80, $0x38;
	[tilespmem:$0x18000] =	vst v63  }
0x3f: {  	_ =	swait.ge @!p0 [sflag:s1], $0x400  }
0x40: {  	[sflag:s1] =	ssyncset.done @!p0 $0x0  }
0x41: {  	s15 =	rddreg [dreg:$0x6];
	[sflag:s1] =	ssyncadd.s32 @!p0 $0xFFFFFC00  }
0x42: {  	[hbm4b:s15+s2] =	stream.linear.scatter [tilespmem:s2], [sflag:$0x4], $0x8000, $0x38;
	[tilespmem:$0x18000] =	vst v63  }
0x43: {  	s0 =	rddreg [dreg:$0x7]  }
0x44: {  	[tilespmem:s11], [sflag:$0x3] =	stream.linear.gather [hbm4b:s0+s2], $0x8000, $0x38;
	[tilespmem:$0x18000] =	vst v63  }
0x45: {  	_ =	swait.ge [sflag:s14], $0x8000  }
0x46: {  	[sflag:s14] =	ssyncset.done $0x0  }
0x47: {  	s15 =	rddreg [dreg:$0x8];
	[sflag:s14] =	ssyncadd.s32 $0xFFFF8000  }
0x48: {  	[hbm4b:s15+s2] =	stream.linear.scatter [tilespmem:s13], [sflag:$0x5], $0x8000, $0x38;
	[tilespmem:$0x18000] =	vst v63  }
0x49: {  	_ =	swait.ge [sflag:s5], $0x8000  }
0x4a: {  	[sflag:s5] =	ssyncset.done $0x0  }
0x4b: {  	s15 =	rddreg [dreg:$0x9];
	[sflag:s5] =	ssyncadd.s32 $0xFFFF8000  }
0x4c: {  	[tilespmem:s2], [sflag:$0x1] =	stream.linear.gather [hbm4b:s15+s2], $0x8000, $0x38;
	[tilespmem:$0x18000] =	vst v63  }
0x4d: {  	_ =	swait.ge [sflag:s12], $0x8000  }
0x4e: {  	[sflag:s12] =	ssyncset.done $0x0  }
0x4f: {  	s15 =	rddreg [dreg:$0xa];
	[sflag:s12] =	ssyncadd.s32 $0xFFFF8000  }
0x50: {  	[hbm4b:s15+s2] =	stream.linear.scatter [tilespmem:s11], [sflag:$0x6], $0x8000, $0x38;
	[tilespmem:$0x18000] =	vst v63  }
0x51: {  	_ =	swait.ge [sflag:s10], $0x8000  }
0x52: {  	[sflag:s10] =	ssyncset.done $0x0  }
0x53: {  	s15 =	rddreg [dreg:$0xb];
	[sflag:s10] =	ssyncadd.s32 $0xFFFF8000  }
0x54: {  	[tilespmem:s13], [sflag:$0x2] =	stream.linear.gather [hbm4b:s15+s2], $0x8000, $0x38;
	[tilespmem:$0x18000] =	vst v63  }
0x55: {  	_ =	swait.ge [sflag:s8], $0x8000  }
0x56: {  	[sflag:s8] =	ssyncset.done $0x0  }
0x57: {  	s15 =	rddreg [dreg:$0xc];
	[sflag:s8] =	ssyncadd.s32 $0xFFFF8000  }
0x58: {  	[hbm4b:s15+s2] =	stream.linear.scatter [tilespmem:s2], [sflag:$0x4], $0x8000, $0x38;
	[tilespmem:$0x18000] =	vst v63  }
0x59: {  	_ =	swait.ge [sflag:s9], $0x8000  }
0x5a: {  	[sflag:s9] =	ssyncset.done $0x0  }
0x5b: {  	s15 =	rddreg [dreg:$0xd];
	[sflag:s9] =	ssyncadd.s32 $0xFFFF8000  }
0x5c: {  	[tilespmem:s11], [sflag:$0x3] =	stream.linear.gather [hbm4b:s15+s2], $0x8000, $0x38;
	[tilespmem:$0x18000] =	vst v63  }
0x5d: {  	_ =	swait.ge [sflag:s14], $0x8000  }
0x5e: {  	[sflag:s14] =	ssyncset.done $0x0  }
0x5f: {  	s15 =	rddreg [dreg:$0xe];
	[sflag:s14] =	ssyncadd.s32 $0xFFFF8000  }
0x60: {  	[hbm4b:s15+s2] =	stream.linear.scatter [tilespmem:s13], [sflag:$0x5], $0x8000, $0x38;
	[tilespmem:$0x18000] =	vst v63  }
0x61: {  	_ =	swait.ge [sflag:s5], $0x8000  }
0x62: {  	[sflag:s5] =	ssyncset.done $0x0  }
0x63: {  	s15 =	rddreg [dreg:$0xf];
	[sflag:s5] =	ssyncadd.s32 $0xFFFF8000  }
0x64: {  	[tilespmem:s2], [sflag:$0x1] =	stream.linear.gather [hbm4b:s15+s2], $0x8000, $0x38;
	[tilespmem:$0x18000] =	vst v63  }
0x65: {  	_ =	swait.ge [sflag:s12], $0x8000  }
0x66: {  	[sflag:s12] =	ssyncset.done $0x0  }
0x67: {  	s15 =	rddreg [dreg:$0x10];
	[sflag:s12] =	ssyncadd.s32 $0xFFFF8000  }
0x68: {  	[hbm4b:s15+s2] =	stream.linear.scatter [tilespmem:s11], [sflag:$0x6], $0x8000, $0x38;
	[tilespmem:$0x18000] =	vst v63  }
0x69: {  	_ =	swait.ge [sflag:s10], $0x8000  }
0x6a: {  	[sflag:s10] =	ssyncset.done $0x0  }
0x6b: {  	s15 =	rddreg [dreg:$0x11];
	[sflag:s10] =	ssyncadd.s32 $0xFFFF8000  }
0x6c: {  	[tilespmem:s13], [sflag:$0x2] =	stream.linear.gather [hbm4b:s15+s2], $0x8000, $0x38;
	[tilespmem:$0x18000] =	vst v63  }
0x6d: {  	_ =	swait.ge [sflag:s8], $0x8000  }
0x6e: {  	[sflag:s8] =	ssyncset.done $0x0  }
0x6f: {  	s15 =	rddreg [dreg:$0x12];
	[sflag:s8] =	ssyncadd.s32 $0xFFFF8000  }
0x70: {  	[hbm4b:s15+s2] =	stream.linear.scatter [tilespmem:s2], [sflag:$0x4], $0x8000, $0x38;
	[tilespmem:$0x18000] =	vst v63  }
0x71: {  	_ =	swait.ge [sflag:s9], $0x8000  }
0x72: {  	[sflag:s9] =	ssyncset.done $0x0  }
0x73: {  	s15 =	rddreg [dreg:$0x13];
	[sflag:s9] =	ssyncadd.s32 $0xFFFF8000  }
0x74: {  	[tilespmem:s11], [sflag:$0x3] =	stream.linear.gather [hbm4b:s15+s2], $0x8000, $0x38;
	[tilespmem:$0x18000] =	vst v63  }
0x75: {  	_ =	swait.ge [sflag:s14], $0x8000  }
0x76: {  	[sflag:s14] =	ssyncset.done $0x0  }
0x77: {  	s15 =	rddreg [dreg:$0x14];
	[sflag:s14] =	ssyncadd.s32 $0xFFFF8000  }
0x78: {  	[hbm4b:s15+s2] =	stream.linear.scatter [tilespmem:s13], [sflag:$0x5], $0x8000, $0x38;
	[tilespmem:$0x18000] =	vst v63  }
0x79: {  	_ =	swait.ge [sflag:s5], $0x8000  }
0x7a: {  	[sflag:s5] =	ssyncset.done $0x0  }
0x7b: {  	s15 =	rddreg [dreg:$0x15];
	[sflag:s5] =	ssyncadd.s32 $0xFFFF8000  }
0x7c: {  	[tilespmem:s2], [sflag:$0x1] =	stream.linear.gather [hbm4b:s15+s2], $0x8000, $0x38;
	[tilespmem:$0x18000] =	vst v63  }
0x7d: {  	_ =	swait.ge [sflag:s12], $0x8000  }
0x7e: {  	[sflag:s12] =	ssyncset.done $0x0  }
0x7f: {  	s15 =	rddreg [dreg:$0x16];
	[sflag:s12] =	ssyncadd.s32 $0xFFFF8000  }
0x80: {  	[hbm4b:s15+s2] =	stream.linear.scatter [tilespmem:s11], [sflag:$0x6], $0x8000, $0x38;
	[tilespmem:$0x18000] =	vst v63  }
0x81: {  	_ =	swait.ge [sflag:s10], $0x8000  }
0x82: {  	[sflag:s10] =	ssyncset.done $0x0  }
0x83: {  	s15 =	rddreg [dreg:$0x17];
	[sflag:s10] =	ssyncadd.s32 $0xFFFF8000  }
0x84: {  	[tilespmem:s13], [sflag:$0x2] =	stream.linear.gather [hbm4b:s15+s2], $0x8000, $0x38;
	[tilespmem:$0x18000] =	vst v63  }
0x85: {  	_ =	swait.ge [sflag:s8], $0x8000  }
0x86: {  	[sflag:s8] =	ssyncset.done $0x0  }
0x87: {  	s15 =	rddreg [dreg:$0x18];
	[sflag:s8] =	ssyncadd.s32 $0xFFFF8000  }
0x88: {  	[hbm4b:s15+s2] =	stream.linear.scatter [tilespmem:s2], [sflag:$0x4], $0x8000, $0x38;
	[tilespmem:$0x18000] =	vst v63  }
0x89: {  	_ =	swait.ge [sflag:s9], $0x8000  }
0x8a: {  	[sflag:s9] =	ssyncset.done $0x0  }
0x8b: {  	s15 =	rddreg [dreg:$0x19];
	[sflag:s9] =	ssyncadd.s32 $0xFFFF8000  }
0x8c: {  	[tilespmem:s11], [sflag:$0x3] =	stream.linear.gather [hbm4b:s15+s2], $0x8000, $0x38;
	[tilespmem:$0x18000] =	vst v63  }
0x8d: {  	_ =	swait.ge [sflag:s14], $0x8000  }
0x8e: {  	[sflag:s14] =	ssyncset.done $0x0  }
0x8f: {  	s15 =	rddreg [dreg:$0x1a];
	[sflag:s14] =	ssyncadd.s32 $0xFFFF8000  }
0x90: {  	[hbm4b:s15+s2] =	stream.linear.scatter [tilespmem:s13], [sflag:$0x5], $0x8000, $0x38;
	[tilespmem:$0x18000] =	vst v63  }
0x91: {  	_ =	swait.ge [sflag:s5], $0x8000  }
0x92: {  	[sflag:s5] =	ssyncset.done $0x0  }
0x93: {  	s15 =	rddreg [dreg:$0x1b];
	[sflag:s5] =	ssyncadd.s32 $0xFFFF8000  }
0x94: {  	[tilespmem:s2], [sflag:$0x1] =	stream.linear.gather [hbm4b:s15+s2], $0x8000, $0x38;
	[tilespmem:$0x18000] =	vst v63  }
0x95: {  	_ =	swait.ge [sflag:s12], $0x8000  }
0x96: {  	[sflag:s12] =	ssyncset.done $0x0  }
0x97: {  	s15 =	rddreg [dreg:$0x1c];
	[sflag:s12] =	ssyncadd.s32 $0xFFFF8000  }
0x98: {  	[hbm4b:s15+s2] =	stream.linear.scatter [tilespmem:s11], [sflag:$0x6], $0x8000, $0x38;
	[tilespmem:$0x18000] =	vst v63  }
0x99: {  	_ =	swait.ge [sflag:s10], $0x8000  }
0x9a: {  	[sflag:s10] =	ssyncset.done $0x0  }
0x9b: {  	s15 =	rddreg [dreg:$0x1d];
	[sflag:s10] =	ssyncadd.s32 $0xFFFF8000  }
0x9c: {  	[tilespmem:s13], [sflag:$0x2] =	stream.linear.gather [hbm4b:s15+s2], $0x8000, $0x38;
	[tilespmem:$0x18000] =	vst v63  }
0x9d: {  	_ =	swait.ge [sflag:s8], $0x8000  }
0x9e: {  	[sflag:s8] =	ssyncset.done $0x0  }
0x9f: {  	s15 =	rddreg [dreg:$0x1e];
	[sflag:s8] =	ssyncadd.s32 $0xFFFF8000  }
0xa0: {  	[hbm4b:s15+s2] =	stream.linear.scatter [tilespmem:s2], [sflag:$0x4], $0x8000, $0x38;
	[tilespmem:$0x18000] =	vst v63  }
0xa1: {  	_ =	swait.ge [sflag:s9], $0x8000  }
0xa2: {  	[sflag:s9] =	ssyncset.done $0x0  }
0xa3: {  	s15 =	rddreg [dreg:$0x1f];
	[sflag:s9] =	ssyncadd.s32 $0xFFFF8000  }
0xa4: {  	[tilespmem:s11], [sflag:$0x3] =	stream.linear.gather [hbm4b:s15+s2], $0x8000, $0x38;
	[tilespmem:$0x18000] =	vst v63  }
0xa5: {  	_ =	swait.ge [sflag:s14], $0x8000  }
0xa6: {  	[sflag:s14] =	ssyncset.done $0x0  }
0xa7: {  	[sflag:s14] =	ssyncadd.s32 $0xFFFF8000  }
0xa8: {  	[hbm4b:s7+s2] =	stream.linear.scatter [tilespmem:s13], [sflag:$0x5], $0x8000, $0x38;
	[tilespmem:$0x18000] =	vst v63  }
0xa9: {  	_ =	swait.ge [sflag:s5], $0x8000  }
0xaa: {  	[sflag:s5] =	ssyncset.done $0x0  }
0xab: {  	[sflag:s5] =	ssyncadd.s32 $0xFFFF8000  }
0xac: {  	[tilespmem:s2], [sflag:$0x1] =	stream.linear.gather [hbm4b:s6+s2], $0x8000, $0x38;
	[tilespmem:$0x18000] =	vst v63  }
0xad: {  	_ =	swait.ge [sflag:s12], $0x8000  }
0xae: {  	[sflag:s12] =	ssyncset.done $0x0  }
0xaf: {  	[sflag:s12] =	ssyncadd.s32 $0xFFFF8000  }
0xb0: {  	[hbm4b:s4+s2] =	stream.linear.scatter [tilespmem:s11], [sflag:$0x6], $0x8000, $0x38;
	[tilespmem:$0x18000] =	vst v63  }
0xb1: {  	_ =	swait.ge [sflag:s8], $0x8000  }
0xb2: {  	[sflag:s8] =	ssyncset.done $0x0  }
0xb3: {  	[sflag:s8] =	ssyncadd.s32 $0xFFFF8000  }
0xb4: {  	[hbm4b:s3+s2] =	stream.linear.scatter [tilespmem:s2], [sflag:$0x4], $0x8000, $0x38;
	[tilespmem:$0x18000] =	vst v63  }
0xb5: {  	_ =	swait.ge [sflag:s10], $0x8000  }
0xb6: {  	s0 =	sadd.s32 $0xFFFFFFFF, s24;
	[sflag:s10] =	ssyncset.done $0x0  }
0xb7: {  	p2 =	sne.s32 s0, $0x0;
	[sflag:s10] =	ssyncadd.s32 $0xFFFF8000  }
.Ltmp1:
0xb8: {  	_ =	swait.ge [sflag:s9], $0x8000;
	(pc) =	sbr.rel @!p2 .LBB2_2-.Ltmp1, $4  }
0xb9: {  	[sflag:s9] =	ssyncset.done $0x0  }
0xba: {  	[sflag:s9] =	ssyncadd.s32 $0xFFFF8000  }
0xbb: {  	_ =	swait.ge [sflag:s5], $0x8000  }
0xbc: {  	p1 =	por $0x1, $0x1;
	s15 =	rddreg [dreg:$0x4];
	[sflag:s5] =	ssyncset.done $0x0  }
.LBB2_3:
0xbd: {  	[sflag:s5] =	ssyncadd.s32 $0xFFFF8000  }
0xbe: {  	[tilespmem:s2], [sflag:$0x1] =	stream.linear.gather [hbm4b:s15+s2], $0x8000, $0x38;
	[tilespmem:$0x18000] =	vst v63  }
0xbf: {  	s24 =	rddreg [dreg:$0x5]  }
0xc0: {  	[tilespmem:s13], [sflag:$0x2] =	stream.linear.gather [hbm4b:s24+s2], $0x8000, $0x38;
	[tilespmem:$0x18000] =	vst v63  }
0xc1: {  	_ =	swait.ge [sflag:s8], $0x8000  }
0xc2: {  	[sflag:s8] =	ssyncset.done $0x0  }
0xc3: {  	[sflag:s8] =	ssyncadd.s32 $0xFFFF8000  }
0xc4: {  	[tilespmem:s23], [sflag:$0x7] =	stream.linear.gather @!p0 [hbm4b:s25+s23], $0x80, $0x38;
	[tilespmem:$0x18000] =	vst v63  }
0xc5: {  	s15 =	simm.s32 @!p0 $0x400  }
0xc6: {  	[tilespmem:s15], [sflag:$0x7] =	stream.linear.gather @!p0 [hbm4b:s22+s23], $0x80, $0x38;
	[tilespmem:$0x18000] =	vst v63  }
0xc7: {  	s15 =	simm.s32 @!p0 $0x800  }
0xc8: {  	[tilespmem:s15], [sflag:$0x7] =	stream.linear.gather @!p0 [hbm4b:s21+s23], $0x80, $0x38;
	[tilespmem:$0x18000] =	vst v63  }
0xc9: {  	_ = 	snop  }
0xca: {  	[tilespmem:s26], [sflag:$0x7] =	stream.linear.gather @!p0 [hbm4b:s20+s23], $0x80, $0x38;
	[tilespmem:$0x18000] =	vst v63  }
0xcb: {  	_ = 	snop  }
0xcc: {  	[tilespmem:s28], [sflag:$0x7] =	stream.linear.gather @!p0 [hbm4b:s19+s23], $0x80, $0x38;
	[tilespmem:$0x18000] =	vst v63  }
0xcd: {  	_ = 	snop  }
0xce: {  	[tilespmem:s29], [sflag:$0x7] =	stream.linear.gather @!p0 [hbm4b:s18+s23], $0x80, $0x38;
	[tilespmem:$0x18000] =	vst v63  }
0xcf: {  	_ = 	snop  }
0xd0: {  	[tilespmem:s30], [sflag:$0x7] =	stream.linear.gather @!p0 [hbm4b:s17+s23], $0x80, $0x38;
	[tilespmem:$0x18000] =	vst v63  }
0xd1: {  	_ = 	snop  }
0xd2: {  	[tilespmem:s31], [sflag:$0x7] =	stream.linear.gather @!p0 [hbm4b:s16+s23], $0x80, $0x38;
	[tilespmem:$0x18000] =	vst v63  }
0xd3: {  	_ =	swait.ge @!p0 [sflag:s1], $0x400  }
0xd4: {  	[sflag:s1] =	ssyncset.done @!p0 $0x0  }
0xd5: {  	s15 =	rddreg [dreg:$0x6];
	[sflag:s1] =	ssyncadd.s32 @!p0 $0xFFFFFC00  }
0xd6: {  	[hbm4b:s15+s2] =	stream.linear.scatter [tilespmem:s2], [sflag:$0x4], $0x8000, $0x38;
	[tilespmem:$0x18000] =	vst v63  }
0xd7: {  	s24 =	rddreg [dreg:$0x7]  }
0xd8: {  	[tilespmem:s11], [sflag:$0x3] =	stream.linear.gather [hbm4b:s24+s2], $0x8000, $0x38;
	[tilespmem:$0x18000] =	vst v63  }
0xd9: {  	_ =	swait.ge [sflag:s14], $0x8000  }
0xda: {  	[sflag:s14] =	ssyncset.done $0x0  }
0xdb: {  	s24 =	rddreg [dreg:$0x8];
	[sflag:s14] =	ssyncadd.s32 $0xFFFF8000  }
0xdc: {  	[hbm4b:s24+s2] =	stream.linear.scatter [tilespmem:s13], [sflag:$0x5], $0x8000, $0x38;
	[tilespmem:$0x18000] =	vst v63  }
0xdd: {  	_ =	swait.ge [sflag:s5], $0x8000  }
0xde: {  	[sflag:s5] =	ssyncset.done $0x0  }
0xdf: {  	s24 =	rddreg [dreg:$0x9];
	[sflag:s5] =	ssyncadd.s32 $0xFFFF8000  }
0xe0: {  	[tilespmem:s2], [sflag:$0x1] =	stream.linear.gather [hbm4b:s24+s2], $0x8000, $0x38;
	[tilespmem:$0x18000] =	vst v63  }
0xe1: {  	_ =	swait.ge [sflag:s12], $0x8000  }
0xe2: {  	[sflag:s12] =	ssyncset.done $0x0  }
0xe3: {  	s24 =	rddreg [dreg:$0xa];
	[sflag:s12] =	ssyncadd.s32 $0xFFFF8000  }
0xe4: {  	[hbm4b:s24+s2] =	stream.linear.scatter [tilespmem:s11], [sflag:$0x6], $0x8000, $0x38;
	[tilespmem:$0x18000] =	vst v63  }
0xe5: {  	_ =	swait.ge [sflag:s10], $0x8000  }
0xe6: {  	[sflag:s10] =	ssyncset.done $0x0  }
0xe7: {  	s24 =	rddreg [dreg:$0xb];
	[sflag:s10] =	ssyncadd.s32 $0xFFFF8000  }
0xe8: {  	[tilespmem:s13], [sflag:$0x2] =	stream.linear.gather [hbm4b:s24+s2], $0x8000, $0x38;
	[tilespmem:$0x18000] =	vst v63  }
0xe9: {  	_ =	swait.ge [sflag:s8], $0x8000  }
0xea: {  	[sflag:s8] =	ssyncset.done $0x0  }
0xeb: {  	s24 =	rddreg [dreg:$0xc];
	[sflag:s8] =	ssyncadd.s32 $0xFFFF8000  }
0xec: {  	[hbm4b:s24+s2] =	stream.linear.scatter [tilespmem:s2], [sflag:$0x4], $0x8000, $0x38;
	[tilespmem:$0x18000] =	vst v63  }
0xed: {  	_ =	swait.ge [sflag:s9], $0x8000  }
0xee: {  	[sflag:s9] =	ssyncset.done $0x0  }
0xef: {  	s24 =	rddreg [dreg:$0xd];
	[sflag:s9] =	ssyncadd.s32 $0xFFFF8000  }
0xf0: {  	[tilespmem:s11], [sflag:$0x3] =	stream.linear.gather [hbm4b:s24+s2], $0x8000, $0x38;
	[tilespmem:$0x18000] =	vst v63  }
0xf1: {  	_ =	swait.ge [sflag:s14], $0x8000  }
0xf2: {  	[sflag:s14] =	ssyncset.done $0x0  }
0xf3: {  	s24 =	rddreg [dreg:$0xe];
	[sflag:s14] =	ssyncadd.s32 $0xFFFF8000  }
0xf4: {  	[hbm4b:s24+s2] =	stream.linear.scatter [tilespmem:s13], [sflag:$0x5], $0x8000, $0x38;
	[tilespmem:$0x18000] =	vst v63  }
0xf5: {  	_ =	swait.ge [sflag:s5], $0x8000  }
0xf6: {  	[sflag:s5] =	ssyncset.done $0x0  }
0xf7: {  	s24 =	rddreg [dreg:$0xf];
	[sflag:s5] =	ssyncadd.s32 $0xFFFF8000  }
0xf8: {  	[tilespmem:s2], [sflag:$0x1] =	stream.linear.gather [hbm4b:s24+s2], $0x8000, $0x38;
	[tilespmem:$0x18000] =	vst v63  }
0xf9: {  	_ =	swait.ge [sflag:s12], $0x8000  }
0xfa: {  	[sflag:s12] =	ssyncset.done $0x0  }
0xfb: {  	s24 =	rddreg [dreg:$0x10];
	[sflag:s12] =	ssyncadd.s32 $0xFFFF8000  }
0xfc: {  	[hbm4b:s24+s2] =	stream.linear.scatter [tilespmem:s11], [sflag:$0x6], $0x8000, $0x38;
	[tilespmem:$0x18000] =	vst v63  }
0xfd: {  	_ =	swait.ge [sflag:s10], $0x8000  }
0xfe: {  	[sflag:s10] =	ssyncset.done $0x0  }
0xff: {  	s24 =	rddreg [dreg:$0x11];
	[sflag:s10] =	ssyncadd.s32 $0xFFFF8000  }
0x100: {  	[tilespmem:s13], [sflag:$0x2] =	stream.linear.gather [hbm4b:s24+s2], $0x8000, $0x38;
	[tilespmem:$0x18000] =	vst v63  }
0x101: {  	_ =	swait.ge [sflag:s8], $0x8000  }
0x102: {  	[sflag:s8] =	ssyncset.done $0x0  }
0x103: {  	s24 =	rddreg [dreg:$0x12];
	[sflag:s8] =	ssyncadd.s32 $0xFFFF8000  }
0x104: {  	[hbm4b:s24+s2] =	stream.linear.scatter [tilespmem:s2], [sflag:$0x4], $0x8000, $0x38;
	[tilespmem:$0x18000] =	vst v63  }
0x105: {  	_ =	swait.ge [sflag:s9], $0x8000  }
0x106: {  	[sflag:s9] =	ssyncset.done $0x0  }
0x107: {  	s24 =	rddreg [dreg:$0x13];
	[sflag:s9] =	ssyncadd.s32 $0xFFFF8000  }
0x108: {  	[tilespmem:s11], [sflag:$0x3] =	stream.linear.gather [hbm4b:s24+s2], $0x8000, $0x38;
	[tilespmem:$0x18000] =	vst v63  }
0x109: {  	_ =	swait.ge [sflag:s14], $0x8000  }
0x10a: {  	[sflag:s14] =	ssyncset.done $0x0  }
0x10b: {  	s24 =	rddreg [dreg:$0x14];
	[sflag:s14] =	ssyncadd.s32 $0xFFFF8000  }
0x10c: {  	[hbm4b:s24+s2] =	stream.linear.scatter [tilespmem:s13], [sflag:$0x5], $0x8000, $0x38;
	[tilespmem:$0x18000] =	vst v63  }
0x10d: {  	_ =	swait.ge [sflag:s5], $0x8000  }
0x10e: {  	[sflag:s5] =	ssyncset.done $0x0  }
0x10f: {  	s24 =	rddreg [dreg:$0x15];
	[sflag:s5] =	ssyncadd.s32 $0xFFFF8000  }
0x110: {  	[tilespmem:s2], [sflag:$0x1] =	stream.linear.gather [hbm4b:s24+s2], $0x8000, $0x38;
	[tilespmem:$0x18000] =	vst v63  }
0x111: {  	_ =	swait.ge [sflag:s12], $0x8000  }
0x112: {  	[sflag:s12] =	ssyncset.done $0x0  }
0x113: {  	s24 =	rddreg [dreg:$0x16];
	[sflag:s12] =	ssyncadd.s32 $0xFFFF8000  }
0x114: {  	[hbm4b:s24+s2] =	stream.linear.scatter [tilespmem:s11], [sflag:$0x6], $0x8000, $0x38;
	[tilespmem:$0x18000] =	vst v63  }
0x115: {  	_ =	swait.ge [sflag:s10], $0x8000  }
0x116: {  	[sflag:s10] =	ssyncset.done $0x0  }
0x117: {  	s24 =	rddreg [dreg:$0x17];
	[sflag:s10] =	ssyncadd.s32 $0xFFFF8000  }
0x118: {  	[tilespmem:s13], [sflag:$0x2] =	stream.linear.gather [hbm4b:s24+s2], $0x8000, $0x38;
	[tilespmem:$0x18000] =	vst v63  }
0x119: {  	_ =	swait.ge [sflag:s8], $0x8000  }
0x11a: {  	[sflag:s8] =	ssyncset.done $0x0  }
0x11b: {  	s24 =	rddreg [dreg:$0x18];
	[sflag:s8] =	ssyncadd.s32 $0xFFFF8000  }
0x11c: {  	[hbm4b:s24+s2] =	stream.linear.scatter [tilespmem:s2], [sflag:$0x4], $0x8000, $0x38;
	[tilespmem:$0x18000] =	vst v63  }
0x11d: {  	_ =	swait.ge [sflag:s9], $0x8000  }
0x11e: {  	[sflag:s9] =	ssyncset.done $0x0  }
0x11f: {  	s24 =	rddreg [dreg:$0x19];
	[sflag:s9] =	ssyncadd.s32 $0xFFFF8000  }
0x120: {  	[tilespmem:s11], [sflag:$0x3] =	stream.linear.gather [hbm4b:s24+s2], $0x8000, $0x38;
	[tilespmem:$0x18000] =	vst v63  }
0x121: {  	_ =	swait.ge [sflag:s14], $0x8000  }
0x122: {  	[sflag:s14] =	ssyncset.done $0x0  }
0x123: {  	s24 =	rddreg [dreg:$0x1a];
	[sflag:s14] =	ssyncadd.s32 $0xFFFF8000  }
0x124: {  	[hbm4b:s24+s2] =	stream.linear.scatter [tilespmem:s13], [sflag:$0x5], $0x8000, $0x38;
	[tilespmem:$0x18000] =	vst v63  }
0x125: {  	_ =	swait.ge [sflag:s5], $0x8000  }
0x126: {  	[sflag:s5] =	ssyncset.done $0x0  }
0x127: {  	s24 =	rddreg [dreg:$0x1b];
	[sflag:s5] =	ssyncadd.s32 $0xFFFF8000  }
0x128: {  	[tilespmem:s2], [sflag:$0x1] =	stream.linear.gather [hbm4b:s24+s2], $0x8000, $0x38;
	[tilespmem:$0x18000] =	vst v63  }
0x129: {  	_ =	swait.ge [sflag:s12], $0x8000  }
0x12a: {  	[sflag:s12] =	ssyncset.done $0x0  }
0x12b: {  	s24 =	rddreg [dreg:$0x1c];
	[sflag:s12] =	ssyncadd.s32 $0xFFFF8000  }
0x12c: {  	[hbm4b:s24+s2] =	stream.linear.scatter [tilespmem:s11], [sflag:$0x6], $0x8000, $0x38;
	[tilespmem:$0x18000] =	vst v63  }
0x12d: {  	_ =	swait.ge [sflag:s10], $0x8000  }
0x12e: {  	[sflag:s10] =	ssyncset.done $0x0  }
0x12f: {  	s24 =	rddreg [dreg:$0x1d];
	[sflag:s10] =	ssyncadd.s32 $0xFFFF8000  }
0x130: {  	[tilespmem:s13], [sflag:$0x2] =	stream.linear.gather [hbm4b:s24+s2], $0x8000, $0x38;
	[tilespmem:$0x18000] =	vst v63  }
0x131: {  	_ =	swait.ge [sflag:s8], $0x8000  }
0x132: {  	[sflag:s8] =	ssyncset.done $0x0  }
0x133: {  	s24 =	rddreg [dreg:$0x1e];
	[sflag:s8] =	ssyncadd.s32 $0xFFFF8000  }
0x134: {  	[hbm4b:s24+s2] =	stream.linear.scatter [tilespmem:s2], [sflag:$0x4], $0x8000, $0x38;
	[tilespmem:$0x18000] =	vst v63  }
0x135: {  	_ =	swait.ge [sflag:s9], $0x8000  }
0x136: {  	[sflag:s9] =	ssyncset.done $0x0  }
0x137: {  	s24 =	rddreg [dreg:$0x1f];
	[sflag:s9] =	ssyncadd.s32 $0xFFFF8000  }
0x138: {  	[tilespmem:s11], [sflag:$0x3] =	stream.linear.gather [hbm4b:s24+s2], $0x8000, $0x38;
	[tilespmem:$0x18000] =	vst v63  }
0x139: {  	_ =	swait.ge [sflag:s14], $0x8000  }
0x13a: {  	[sflag:s14] =	ssyncset.done $0x0  }
0x13b: {  	[sflag:s14] =	ssyncadd.s32 $0xFFFF8000  }
0x13c: {  	[hbm4b:s7+s2] =	stream.linear.scatter [tilespmem:s13], [sflag:$0x5], $0x8000, $0x38;
	[tilespmem:$0x18000] =	vst v63  }
0x13d: {  	_ =	swait.ge [sflag:s5], $0x8000  }
0x13e: {  	[sflag:s5] =	ssyncset.done $0x0  }
0x13f: {  	[sflag:s5] =	ssyncadd.s32 $0xFFFF8000  }
0x140: {  	[tilespmem:s2], [sflag:$0x1] =	stream.linear.gather [hbm4b:s6+s2], $0x8000, $0x38;
	[tilespmem:$0x18000] =	vst v63  }
0x141: {  	_ =	swait.ge [sflag:s12], $0x8000  }
0x142: {  	[sflag:s12] =	ssyncset.done $0x0  }
0x143: {  	[sflag:s12] =	ssyncadd.s32 $0xFFFF8000  }
0x144: {  	[hbm4b:s4+s2] =	stream.linear.scatter [tilespmem:s11], [sflag:$0x6], $0x8000, $0x38;
	[tilespmem:$0x18000] =	vst v63  }
0x145: {  	_ =	swait.ge [sflag:s8], $0x8000  }
0x146: {  	[sflag:s8] =	ssyncset.done $0x0  }
0x147: {  	[sflag:s8] =	ssyncadd.s32 $0xFFFF8000  }
0x148: {  	[hbm4b:s3+s2] =	stream.linear.scatter [tilespmem:s2], [sflag:$0x4], $0x8000, $0x38;
	[tilespmem:$0x18000] =	vst v63  }
0x149: {  	_ =	swait.ge [sflag:s10], $0x8000  }
0x14a: {  	s0 =	sadd.s32 $0xFFFFFFFF, s0;
	[sflag:s10] =	ssyncset.done $0x0  }
0x14b: {  	p2 =	sne.s32 s0, $0x0;
	[sflag:s10] =	ssyncadd.s32 $0xFFFF8000  }
.Ltmp2:
0x14c: {  	_ =	swait.ge [sflag:s9], $0x8000;
	(pc) =	sbr.rel @p2 .LBB2_3-.Ltmp2, $4  }
0x14d: {  	[sflag:s9] =	ssyncset.done $0x0  }
0x14e: {  	[sflag:s9] =	ssyncadd.s32 $0xFFFF8000  }
0x14f: {  	_ =	swait.ge [sflag:s5], $0x8000  }
0x150: {  	s15 =	rddreg [dreg:$0x4];
	[sflag:s5] =	ssyncset.done $0x0  }
0x151: {  	s23 =	stileid.u32;
	s24 =	rddreg [dreg:$0x3]  }
.LBB2_5:
0x152: {  	[sflag:s5] =	ssyncadd.s32 @p1 $0xFFFF8000  }
0x153: {  	[tilespmem:s2], [sflag:$0x1] =	stream.linear.gather [hbm4b:s15+s2], $0x8000, $0x38;
	[tilespmem:$0x18000] =	vst v63  }
0x154: {  	s0 =	rddreg [dreg:$0x5]  }
0x155: {  	[tilespmem:s13], [sflag:$0x2] =	stream.linear.gather [hbm4b:s0+s2], $0x8000, $0x38;
	[tilespmem:$0x18000] =	vst v63  }
0x156: {  	_ =	swait.ge [sflag:s8], $0x8000  }
0x157: {  	[sflag:s8] =	ssyncset.done $0x0  }
0x158: {  	s0 =	simm.s32 @!p0 $0x0;
	[sflag:s8] =	ssyncadd.s32 $0xFFFF8000  }
0x159: {  	[tilespmem:s0], [sflag:$0x7] =	stream.linear.gather @!p0 [hbm4b:s25+s0], $0x80, $0x38;
	[tilespmem:$0x18000] =	vst v63  }
0x15a: {  	s1 =	simm.s32 @!p0 $0x400  }
0x15b: {  	[tilespmem:s1], [sflag:$0x7] =	stream.linear.gather @!p0 [hbm4b:s22+s0], $0x80, $0x38;
	[tilespmem:$0x18000] =	vst v63  }
0x15c: {  	s1 =	simm.s32 @!p0 $0x800  }
0x15d: {  	[tilespmem:s1], [sflag:$0x7] =	stream.linear.gather @!p0 [hbm4b:s21+s0], $0x80, $0x38;
	[tilespmem:$0x18000] =	vst v63  }
0x15e: {  	s1 =	simm.s32 @!p0 $0xC00  }
0x15f: {  	[tilespmem:s1], [sflag:$0x7] =	stream.linear.gather @!p0 [hbm4b:s20+s0], $0x80, $0x38;
	[tilespmem:$0x18000] =	vst v63  }
0x160: {  	s1 =	simm.s32 @!p0 $0x1000  }
0x161: {  	[tilespmem:s1], [sflag:$0x7] =	stream.linear.gather @!p0 [hbm4b:s19+s0], $0x80, $0x38;
	[tilespmem:$0x18000] =	vst v63  }
0x162: {  	s1 =	simm.s32 @!p0 $0x1400  }
0x163: {  	[tilespmem:s1], [sflag:$0x7] =	stream.linear.gather @!p0 [hbm4b:s18+s0], $0x80, $0x38;
	[tilespmem:$0x18000] =	vst v63  }
0x164: {  	s1 =	simm.s32 @!p0 $0x1800  }
0x165: {  	[tilespmem:s1], [sflag:$0x7] =	stream.linear.gather @!p0 [hbm4b:s17+s0], $0x80, $0x38;
	[tilespmem:$0x18000] =	vst v63  }
0x166: {  	s15 =	simm.s32 @!p0 $0x7;
	s1 =	simm.s32 @!p0 $0x1C00  }
0x167: {  	[tilespmem:s1], [sflag:$0x7] =	stream.linear.gather @!p0 [hbm4b:s16+s0], $0x80, $0x38;
	[tilespmem:$0x18000] =	vst v63  }
0x168: {  	_ =	swait.ge @!p0 [sflag:s15], $0x400  }
0x169: {  	[sflag:s15] =	ssyncset.done @!p0 $0x0  }
0x16a: {  	s18 =	rddreg [dreg:$0x6];
	[sflag:s15] =	ssyncadd.s32 @!p0 $0xFFFFFC00  }
0x16b: {  	[hbm4b:s18+s2] =	stream.linear.scatter [tilespmem:s2], [sflag:$0x4], $0x8000, $0x38;
	[tilespmem:$0x18000] =	vst v63  }
0x16c: {  	s19 =	rddreg [dreg:$0x7]  }
0x16d: {  	[tilespmem:s11], [sflag:$0x3] =	stream.linear.gather [hbm4b:s19+s2], $0x8000, $0x38;
	[tilespmem:$0x18000] =	vst v63  }
0x16e: {  	_ =	swait.ge [sflag:s14], $0x8000  }
0x16f: {  	[sflag:s14] =	ssyncset.done $0x0  }
0x170: {  	s20 =	rddreg [dreg:$0x8];
	[sflag:s14] =	ssyncadd.s32 $0xFFFF8000  }
0x171: {  	[hbm4b:s20+s2] =	stream.linear.scatter [tilespmem:s13], [sflag:$0x5], $0x8000, $0x38;
	[tilespmem:$0x18000] =	vst v63  }
0x172: {  	_ =	swait.ge [sflag:s5], $0x8000  }
0x173: {  	[sflag:s5] =	ssyncset.done $0x0  }
0x174: {  	s21 =	rddreg [dreg:$0x9];
	[sflag:s5] =	ssyncadd.s32 $0xFFFF8000  }
0x175: {  	[tilespmem:s2], [sflag:$0x1] =	stream.linear.gather [hbm4b:s21+s2], $0x8000, $0x38;
	[tilespmem:$0x18000] =	vst v63  }
0x176: {  	_ =	swait.ge [sflag:s12], $0x8000  }
0x177: {  	[sflag:s12] =	ssyncset.done $0x0  }
0x178: {  	s22 =	rddreg [dreg:$0xa];
	[sflag:s12] =	ssyncadd.s32 $0xFFFF8000  }
0x179: {  	[hbm4b:s22+s2] =	stream.linear.scatter [tilespmem:s11], [sflag:$0x6], $0x8000, $0x38;
	[tilespmem:$0x18000] =	vst v63  }
0x17a: {  	_ =	swait.ge [sflag:s10], $0x8000  }
0x17b: {  	[sflag:s10] =	ssyncset.done $0x0  }
0x17c: {  	s25 =	rddreg [dreg:$0xb];
	[sflag:s10] =	ssyncadd.s32 $0xFFFF8000  }
0x17d: {  	[tilespmem:s13], [sflag:$0x2] =	stream.linear.gather [hbm4b:s25+s2], $0x8000, $0x38;
	[tilespmem:$0x18000] =	vst v63  }
0x17e: {  	_ =	swait.ge [sflag:s8], $0x8000  }
0x17f: {  	[sflag:s8] =	ssyncset.done $0x0  }
0x180: {  	s26 =	rddreg [dreg:$0xc];
	[sflag:s8] =	ssyncadd.s32 $0xFFFF8000  }
0x181: {  	[hbm4b:s26+s2] =	stream.linear.scatter [tilespmem:s2], [sflag:$0x4], $0x8000, $0x38;
	[tilespmem:$0x18000] =	vst v63  }
0x182: {  	_ =	swait.ge [sflag:s9], $0x8000  }
0x183: {  	[sflag:s9] =	ssyncset.done $0x0  }
0x184: {  	s28 =	rddreg [dreg:$0xd];
	[sflag:s9] =	ssyncadd.s32 $0xFFFF8000  }
0x185: {  	[tilespmem:s11], [sflag:$0x3] =	stream.linear.gather [hbm4b:s28+s2], $0x8000, $0x38;
	[tilespmem:$0x18000] =	vst v63  }
0x186: {  	_ =	swait.ge [sflag:s14], $0x8000  }
0x187: {  	[sflag:s14] =	ssyncset.done $0x0  }
0x188: {  	s29 =	rddreg [dreg:$0xe];
	[sflag:s14] =	ssyncadd.s32 $0xFFFF8000  }
0x189: {  	[hbm4b:s29+s2] =	stream.linear.scatter [tilespmem:s13], [sflag:$0x5], $0x8000, $0x38;
	[tilespmem:$0x18000] =	vst v63  }
0x18a: {  	_ =	swait.ge [sflag:s5], $0x8000  }
0x18b: {  	[sflag:s5] =	ssyncset.done $0x0  }
0x18c: {  	s30 =	rddreg [dreg:$0xf];
	[sflag:s5] =	ssyncadd.s32 $0xFFFF8000  }
0x18d: {  	[tilespmem:s2], [sflag:$0x1] =	stream.linear.gather [hbm4b:s30+s2], $0x8000, $0x38;
	[tilespmem:$0x18000] =	vst v63  }
0x18e: {  	_ =	swait.ge [sflag:s12], $0x8000  }
0x18f: {  	[sflag:s12] =	ssyncset.done $0x0  }
0x190: {  	s31 =	rddreg [dreg:$0x10];
	[sflag:s12] =	ssyncadd.s32 $0xFFFF8000  }
0x191: {  	[hbm4b:s31+s2] =	stream.linear.scatter [tilespmem:s11], [sflag:$0x6], $0x8000, $0x38;
	[tilespmem:$0x18000] =	vst v63  }
0x192: {  	_ =	swait.ge [sflag:s10], $0x8000  }
0x193: {  	[sflag:s10] =	ssyncset.done $0x0  }
0x194: {  	s1 =	rddreg [dreg:$0x11];
	[sflag:s10] =	ssyncadd.s32 $0xFFFF8000  }
0x195: {  	[tilespmem:s13], [sflag:$0x2] =	stream.linear.gather [hbm4b:s1+s2], $0x8000, $0x38;
	[tilespmem:$0x18000] =	vst v63  }
0x196: {  	_ =	swait.ge [sflag:s8], $0x8000  }
0x197: {  	[sflag:s8] =	ssyncset.done $0x0  }
0x198: {  	s15 =	rddreg [dreg:$0x12];
	[sflag:s8] =	ssyncadd.s32 $0xFFFF8000  }
0x199: {  	[hbm4b:s15+s2] =	stream.linear.scatter [tilespmem:s2], [sflag:$0x4], $0x8000, $0x38;
	[tilespmem:$0x18000] =	vst v63  }
0x19a: {  	_ =	swait.ge [sflag:s9], $0x8000  }
0x19b: {  	[sflag:s9] =	ssyncset.done $0x0  }
0x19c: {  	s16 =	rddreg [dreg:$0x13];
	[sflag:s9] =	ssyncadd.s32 $0xFFFF8000  }
0x19d: {  	[tilespmem:s11], [sflag:$0x3] =	stream.linear.gather [hbm4b:s16+s2], $0x8000, $0x38;
	[tilespmem:$0x18000] =	vst v63  }
0x19e: {  	_ =	swait.ge [sflag:s14], $0x8000  }
0x19f: {  	[sflag:s14] =	ssyncset.done $0x0  }
0x1a0: {  	s17 =	rddreg [dreg:$0x14];
	[sflag:s14] =	ssyncadd.s32 $0xFFFF8000  }
0x1a1: {  	[hbm4b:s17+s2] =	stream.linear.scatter [tilespmem:s13], [sflag:$0x5], $0x8000, $0x38;
	[tilespmem:$0x18000] =	vst v63  }
0x1a2: {  	_ =	swait.ge [sflag:s5], $0x8000  }
0x1a3: {  	[sflag:s5] =	ssyncset.done $0x0  }
0x1a4: {  	s18 =	rddreg [dreg:$0x15];
	[sflag:s5] =	ssyncadd.s32 $0xFFFF8000  }
0x1a5: {  	[tilespmem:s2], [sflag:$0x1] =	stream.linear.gather [hbm4b:s18+s2], $0x8000, $0x38;
	[tilespmem:$0x18000] =	vst v63  }
0x1a6: {  	_ =	swait.ge [sflag:s12], $0x8000  }
0x1a7: {  	[sflag:s12] =	ssyncset.done $0x0  }
0x1a8: {  	s19 =	rddreg [dreg:$0x16];
	[sflag:s12] =	ssyncadd.s32 $0xFFFF8000  }
0x1a9: {  	[hbm4b:s19+s2] =	stream.linear.scatter [tilespmem:s11], [sflag:$0x6], $0x8000, $0x38;
	[tilespmem:$0x18000] =	vst v63  }
0x1aa: {  	_ =	swait.ge [sflag:s10], $0x8000  }
0x1ab: {  	[sflag:s10] =	ssyncset.done $0x0  }
0x1ac: {  	s20 =	rddreg [dreg:$0x17];
	[sflag:s10] =	ssyncadd.s32 $0xFFFF8000  }
0x1ad: {  	[tilespmem:s13], [sflag:$0x2] =	stream.linear.gather [hbm4b:s20+s2], $0x8000, $0x38;
	[tilespmem:$0x18000] =	vst v63  }
0x1ae: {  	_ =	swait.ge [sflag:s8], $0x8000  }
0x1af: {  	[sflag:s8] =	ssyncset.done $0x0  }
0x1b0: {  	s21 =	rddreg [dreg:$0x18];
	[sflag:s8] =	ssyncadd.s32 $0xFFFF8000  }
0x1b1: {  	[hbm4b:s21+s2] =	stream.linear.scatter [tilespmem:s2], [sflag:$0x4], $0x8000, $0x38;
	[tilespmem:$0x18000] =	vst v63  }
0x1b2: {  	_ =	swait.ge [sflag:s9], $0x8000  }
0x1b3: {  	[sflag:s9] =	ssyncset.done $0x0  }
0x1b4: {  	s22 =	rddreg [dreg:$0x19];
	[sflag:s9] =	ssyncadd.s32 $0xFFFF8000  }
0x1b5: {  	[tilespmem:s11], [sflag:$0x3] =	stream.linear.gather [hbm4b:s22+s2], $0x8000, $0x38;
	[tilespmem:$0x18000] =	vst v63  }
0x1b6: {  	_ =	swait.ge [sflag:s14], $0x8000  }
0x1b7: {  	[sflag:s14] =	ssyncset.done $0x0  }
0x1b8: {  	s25 =	rddreg [dreg:$0x1a];
	[sflag:s14] =	ssyncadd.s32 $0xFFFF8000  }
0x1b9: {  	[hbm4b:s25+s2] =	stream.linear.scatter [tilespmem:s13], [sflag:$0x5], $0x8000, $0x38;
	[tilespmem:$0x18000] =	vst v63  }
0x1ba: {  	_ =	swait.ge [sflag:s5], $0x8000  }
0x1bb: {  	[sflag:s5] =	ssyncset.done $0x0  }
0x1bc: {  	s26 =	rddreg [dreg:$0x1b];
	[sflag:s5] =	ssyncadd.s32 $0xFFFF8000  }
0x1bd: {  	[tilespmem:s2], [sflag:$0x1] =	stream.linear.gather [hbm4b:s26+s2], $0x8000, $0x38;
	[tilespmem:$0x18000] =	vst v63  }
0x1be: {  	_ =	swait.ge [sflag:s12], $0x8000  }
0x1bf: {  	[sflag:s12] =	ssyncset.done $0x0  }
0x1c0: {  	s28 =	rddreg [dreg:$0x1c];
	[sflag:s12] =	ssyncadd.s32 $0xFFFF8000  }
0x1c1: {  	[hbm4b:s28+s2] =	stream.linear.scatter [tilespmem:s11], [sflag:$0x6], $0x8000, $0x38;
	[tilespmem:$0x18000] =	vst v63  }
0x1c2: {  	_ =	swait.ge [sflag:s10], $0x8000  }
0x1c3: {  	[sflag:s10] =	ssyncset.done $0x0  }
0x1c4: {  	s29 =	rddreg [dreg:$0x1d];
	[sflag:s10] =	ssyncadd.s32 $0xFFFF8000  }
0x1c5: {  	[tilespmem:s13], [sflag:$0x2] =	stream.linear.gather [hbm4b:s29+s2], $0x8000, $0x38;
	[tilespmem:$0x18000] =	vst v63  }
0x1c6: {  	_ =	swait.ge [sflag:s8], $0x8000  }
0x1c7: {  	[sflag:s8] =	ssyncset.done $0x0  }
0x1c8: {  	s30 =	rddreg [dreg:$0x1e];
	[sflag:s8] =	ssyncadd.s32 $0xFFFF8000  }
0x1c9: {  	[hbm4b:s30+s2] =	stream.linear.scatter [tilespmem:s2], [sflag:$0x4], $0x8000, $0x38;
	[tilespmem:$0x18000] =	vst v63  }
0x1ca: {  	_ =	swait.ge [sflag:s9], $0x8000  }
0x1cb: {  	[sflag:s9] =	ssyncset.done $0x0  }
0x1cc: {  	s31 =	rddreg [dreg:$0x1f];
	[sflag:s9] =	ssyncadd.s32 $0xFFFF8000  }
0x1cd: {  	[tilespmem:s11], [sflag:$0x3] =	stream.linear.gather [hbm4b:s31+s2], $0x8000, $0x38;
	[tilespmem:$0x18000] =	vst v63  }
0x1ce: {  	_ =	swait.ge [sflag:s14], $0x8000  }
0x1cf: {  	[sflag:s14] =	ssyncset.done $0x0  }
0x1d0: {  	[sflag:s14] =	ssyncadd.s32 $0xFFFF8000  }
0x1d1: {  	[hbm4b:s7+s2] =	stream.linear.scatter [tilespmem:s13], [sflag:$0x5], $0x8000, $0x38;
	[tilespmem:$0x18000] =	vst v63  }
0x1d2: {  	_ =	swait.ge [sflag:s5], $0x8000  }
0x1d3: {  	[sflag:s5] =	ssyncset.done $0x0  }
0x1d4: {  	[sflag:s5] =	ssyncadd.s32 $0xFFFF8000  }
0x1d5: {  	[tilespmem:s2], [sflag:$0x1] =	stream.linear.gather [hbm4b:s6+s2], $0x8000, $0x38;
	[tilespmem:$0x18000] =	vst v63  }
0x1d6: {  	_ =	swait.ge [sflag:s12], $0x8000  }
0x1d7: {  	[sflag:s12] =	ssyncset.done $0x0  }
0x1d8: {  	[sflag:s12] =	ssyncadd.s32 $0xFFFF8000  }
0x1d9: {  	[hbm4b:s4+s2] =	stream.linear.scatter [tilespmem:s11], [sflag:$0x6], $0x8000, $0x38;
	[tilespmem:$0x18000] =	vst v63  }
0x1da: {  	_ =	swait.ge [sflag:s8], $0x8000  }
0x1db: {  	[sflag:s8] =	ssyncset.done $0x0  }
0x1dc: {  	[sflag:s8] =	ssyncadd.s32 $0xFFFF8000  }
0x1dd: {  	[hbm4b:s3+s2] =	stream.linear.scatter [tilespmem:s2], [sflag:$0x4], $0x8000, $0x38;
	[tilespmem:$0x18000] =	vst v63  }
0x1de: {  	_ =	swait.ge [sflag:s10], $0x8000  }
0x1df: {  	[sflag:s10] =	ssyncset.done $0x0  }
0x1e0: {  	[sflag:s10] =	ssyncadd.s32 $0xFFFF8000  }
0x1e1: {  	_ =	swait.ge [sflag:s9], $0x8000  }
0x1e2: {  	[sflag:s9] =	ssyncset.done $0x0  }
0x1e3: {  	[sflag:s9] =	ssyncadd.s32 $0xFFFF8000  }
0x1e4: {  	_ =	swait.ge [sflag:s5], $0x8000  }
0x1e5: {  	[sflag:s5] =	ssyncset.done $0x0  }
0x1e6: {  	[sflag:s5] =	ssyncadd.s32 $0xFFFF8000  }
0x1e7: {  	_ =	sfence.sel $0x180000  }
0x1e8: {  	[bflag:$0x0] =	sbarrier.arrive $0xFFFF  }
0x1e9: {  	p0 =	sne.s32 s23, $0x0;
	_ =	strace $0x90000047  }
0x1ea: {  	s0 =	sadd.s32 @!p0 $0x100000, s24;
	[bflag:$0x2] =	sbarrier.arrive $0xFFFF  }
0x1eb: {  	[sflag:s0] =	ssyncadd.tile.s32 @!p0 $0x1;
	_ =	shalt  }
.LBB2_2:
.Ltmp3:
0x1ec: {  	(pc) =	sbr.rel .LBB2_5-.Ltmp3, $2  }
0x1ed: {  	_ =	sdelay $0x2  }
0x1ee: {  	s23 =	stileid.u32;
	s24 =	rddreg [dreg:$0x3]  }
.Lfunc_end2:
_tile_overlayer_lowered:
.L_overlay_start_2:
0x1ef: {  	(tag) =	ssettag $0x2  }
0x1f0: {  	s0 =	rddreg [dreg:$0x0];
	s2 =	stileid.u32  }
0x1f1: {  	s1 =	rddreg [dreg:$0x1];
	p0 =	sne.s32 s2, $0x0  }
0x1f2: {  	s3 =	rddreg [dreg:$0x2];
	[bflag:$0x3] =	sbarrier.arrive $0xFFFF;
	s2 =	simm.s32 @!p0 $0x1C07  }
0x1f3: {  	[timem:s3], [sflag:s2] =	dma.local @!p0 [hbm:s0], s1  }
0x1f4: {  	s0 =	simm.s32 @!p0 $0x7  }
0x1f5: {  	_ =	swait.ge @!p0 [sflag:s0], s1  }
0x1f6: {  	s1 =	ssub.s32 @!p0 $0x0, s1;
	[sflag:s0] =	ssyncset.done @!p0 $0x0  }
0x1f7: {  	[sflag:s0] =	ssyncadd.s32 @!p0 s1  }
0x1f8: {  	[bflag:$0x3] =	sbarrier.arrive $0xFFFF  }
0x1f9: {  	_ =	shalt  }

</sc_bundles>
